<compile_context>
chip_gen: v7x
topology: tpu7x:2x2x1
jax: 0.10.2.dev20260603
libtpu: 0.0.44.dev20260713+nightly
codegen_flags: <defaults>
</compile_context>

<pallas_src>
import functools
import jax
import jax.numpy as jnp
from jax import lax
from jax.experimental import pallas as pl
from jax.experimental.pallas import tpu as pltpu
from jax.experimental.pallas import tpu_sc as plsc

B = 1024
L = 50
E = 64
DD = 4 * E + 3
H1 = 512

NW = 32
IDS_TOTAL = 2 * B * L + B
CHUNK = 128
NCHUNK = -(-IDS_TOTAL // (NW * CHUNK))
IDS_PAD = NW * CHUNK * NCHUNK
PER_W = CHUNK * NCHUNK

OFF_WISH = L * 3 * E
OFF_HD = 2 * L * 3 * E
OFF_WD = OFF_HD + L * DD


def _sc_gather_body(ids, at, lt, tt, oal, ot,
                    idx_v, a_v, l_v, t_v, sem_g, sem_s):
    wid = lax.axis_index("s") * 2 + lax.axis_index("c")
    base = wid * PER_W

    def gathers(i, slot):
        pltpu.sync_copy(ids.at[pl.ds(base + i * CHUNK, CHUNK)],
                        idx_v.at[slot])
        pltpu.make_async_copy(at.at[idx_v.at[slot]], a_v.at[slot],
                              sem_g.at[slot]).start()
        pltpu.make_async_copy(lt.at[idx_v.at[slot]], l_v.at[slot],
                              sem_g.at[slot]).start()
        pltpu.make_async_copy(tt.at[idx_v.at[slot]], t_v.at[slot],
                              sem_g.at[slot]).start()

    def store_copies(i, slot):
        off = base + i * CHUNK
        return (
            pltpu.make_async_copy(
                a_v.at[slot], oal.at[pl.ds(off, CHUNK), pl.ds(0, E)],
                sem_s.at[slot]),
            pltpu.make_async_copy(
                l_v.at[slot], oal.at[pl.ds(off, CHUNK), pl.ds(E, E)],
                sem_s.at[slot]),
            pltpu.make_async_copy(
                t_v.at[slot], ot.at[pl.ds(off, CHUNK), pl.ds(0, E)],
                sem_s.at[slot]),
        )

    gathers(0, 0)

    def step(i, carry):
        slot = lax.rem(i, 2)
        nslot = lax.rem(i + 1, 2)

        @pl.when(i + 1 < NCHUNK)
        def _():
            @pl.when(i >= 1)
            def _():
                for c in store_copies(i + 1, nslot):
                    c.wait()
            gathers(i + 1, nslot)

        pltpu.make_async_copy(at.at[idx_v.at[slot]], a_v.at[slot],
                              sem_g.at[slot]).wait()
        pltpu.make_async_copy(lt.at[idx_v.at[slot]], l_v.at[slot],
                              sem_g.at[slot]).wait()
        pltpu.make_async_copy(tt.at[idx_v.at[slot]], t_v.at[slot],
                              sem_g.at[slot]).wait()
        for c in store_copies(i, slot):
            c.start()
        return carry

    lax.fori_loop(0, NCHUNK, step, 0)
    for slot in (0, 1):
        for c in store_copies(slot, slot):
            c.wait()


@functools.cache
def _make_sc_gather():
    return functools.partial(
        pl.kernel,
        out_type=(
            jax.ShapeDtypeStruct((IDS_PAD, 2 * E), jnp.float32),
            jax.ShapeDtypeStruct((IDS_PAD, 2 * E), jnp.float32),
        ),
        mesh=plsc.VectorSubcoreMesh(core_axis_name="c", subcore_axis_name="s"),
        compiler_params=pltpu.CompilerParams(use_tc_tiling_on_sc=False),
        scratch_types=(
            pltpu.VMEM((2, CHUNK), jnp.int32),
            pltpu.VMEM((2, CHUNK, E), jnp.float32),
            pltpu.VMEM((2, CHUNK, E), jnp.float32),
            pltpu.VMEM((2, CHUNK, E), jnp.float32),
            pltpu.SemaphoreType.DMA((2,)),
            pltpu.SemaphoreType.DMA((2,)),
        ),
    )(_sc_gather_body)


MB = B // 2
LC = 8
KC = -(-L // LC)
WROWS = LC * DD
DWIN = WROWS + 8


LTAIL = L - LC * (KC - 1)


KFULL = KC - 1


def _tcd_body(hdt, wdt, wh_any, wtail2, out, accs, whd, wwd, sem_hd, sem_wd):
    k = pl.program_id(0)
    m = pl.program_id(1)
    acc = accs.at[m]

    def aligned(off):
        return pl.multiple_of((off // 8) * 8, 8)

    def start_dma(step, slot):
        pltpu.make_async_copy(
            wh_any.at[pl.ds(OFF_HD + step * WROWS, WROWS), :],
            whd.at[slot], sem_hd.at[slot]).start()

        @pl.when(step < KFULL)
        def _():
            pltpu.make_async_copy(
                wh_any.at[pl.ds(aligned(OFF_WD + step * WROWS), DWIN), :],
                wwd.at[slot], sem_wd.at[slot]).start()

    @pl.when(jnp.logical_and(k == 0, m == 0))
    def _():
        start_dma(0, 0)

    @pl.when(jnp.logical_and(m == 1, k + 1 < KC))
    def _():
        start_dma(k + 1, (k + 1) % 2)

    slot = k % 2

    @pl.when(m == 0)
    def _():
        pltpu.make_async_copy(
            wh_any.at[pl.ds(OFF_HD + k * WROWS, WROWS), :],
            whd.at[slot], sem_hd.at[slot]).wait()

        @pl.when(k < KFULL)
        def _():
            pltpu.make_async_copy(
                wh_any.at[pl.ds(aligned(OFF_WD + k * WROWS), DWIN), :],
                wwd.at[slot], sem_wd.at[slot]).wait()

    @pl.when(k == 0)
    def _():
        acc[...] = jnp.zeros_like(acc[...])

    f32 = jnp.float32
    cdims = (((0,), (0,)), ((), ()))
    x_h = hdt[...]
    x_w = wdt[...]
    w_h = whd[slot]
    w_w = wwd[slot]

    for j in range(LC):
        @pl.when(jnp.logical_and(k * LC + j < L, k < KFULL))
        def _(j=j):
            acc[...] += lax.dot_general(x_h[j], w_h[j * DD:(j + 1) * DD, :],
                                        cdims, preferred_element_type=f32)
            acc[...] += lax.dot_general(x_w[j],
                                        w_w[6 + j * DD:6 + (j + 1) * DD, :],
                                        cdims, preferred_element_type=f32)

        if j < LTAIL:
            @pl.when(k == KC - 1)
            def _(j=j):
                acc[...] += lax.dot_general(x_h[j],
                                            w_h[j * DD:(j + 1) * DD, :],
                                            cdims, preferred_element_type=f32)
                acc[...] += lax.dot_general(
                    x_w[j], wtail2[j * DD:(j + 1) * DD, :],
                    cdims, preferred_element_type=f32)

    @pl.when(jnp.logical_and(k == KC - 1, m == 0))
    def _():
        out[0:MB, :] = acc[...]

    @pl.when(jnp.logical_and(k == KC - 1, m == 1))
    def _():
        out[MB:B, :] = acc[...]


def _tcd(hdt, wdt, w0, wtail2):
    return pl.pallas_call(
        _tcd_body,
        grid=(KC, B // MB),
        in_specs=[
            pl.BlockSpec((LC, DD, MB), lambda k, m: (k, 0, m)),
            pl.BlockSpec((LC, DD, MB), lambda k, m: (k, 0, m)),
            pl.BlockSpec(memory_space=pl.ANY),
            pl.BlockSpec((LTAIL * DD, H1), lambda k, m: (0, 0)),
        ],
        out_specs=pl.BlockSpec((B, H1), lambda k, m: (0, 0)),
        out_shape=jax.ShapeDtypeStruct((B, H1), jnp.float32),
        scratch_shapes=[
            pltpu.VMEM((2, MB, H1), jnp.float32),
            pltpu.VMEM((2, WROWS, H1), jnp.float32),
            pltpu.VMEM((2, DWIN, H1), jnp.float32),
            pltpu.SemaphoreType.DMA((2,)),
            pltpu.SemaphoreType.DMA((2,)),
        ],
        compiler_params=pltpu.CompilerParams(
            dimension_semantics=("arbitrary", "arbitrary"),
            vmem_limit_bytes=100 * 1024 * 1024),
    )(hdt, wdt, w0, wtail2)


def _tc1_body(alh, th_, alw, tw_, wh, ww, dacc, b0, out, acc):
    l = pl.program_id(0)

    f32 = jnp.float32
    x_alh = alh[...].reshape(B, 2 * E)
    x_th = th_[...].reshape(B, 2 * E)
    x_alw = alw[...].reshape(B, 2 * E)
    x_tw = tw_[...].reshape(B, 2 * E)

    a = jnp.dot(x_alh, wh[0:2 * E, :], preferred_element_type=f32)
    a += jnp.dot(x_th[:, 0:E], wh[2 * E:3 * E, :], preferred_element_type=f32)
    a += jnp.dot(x_alw, ww[0:2 * E, :], preferred_element_type=f32)
    a += jnp.dot(x_tw[:, 0:E], ww[2 * E:3 * E, :], preferred_element_type=f32)

    @pl.when(l == 0)
    def _():
        acc[...] = dacc[...] + a

    @pl.when(l > 0)
    def _():
        acc[...] += a

    @pl.when(l == L - 1)
    def _():
        out[...] = jnp.maximum(acc[...] + b0[...], 0.0)


def _tc1(oal3, ot3, dacc, w0, b0):
    emb_h = pl.BlockSpec((B // 8, 8, 2 * E), lambda l: (l, 0, 0))
    emb_w = pl.BlockSpec((B // 8, 8, 2 * E), lambda l: (L + l, 0, 0))
    return pl.pallas_call(
        _tc1_body,
        grid=(L,),
        in_specs=[
            emb_h, emb_h, emb_w, emb_w,
            pl.BlockSpec((3 * E, H1), lambda l: (l, 0)),
            pl.BlockSpec((3 * E, H1), lambda l: (L + l, 0)),
            pl.BlockSpec((B, H1), lambda l: (0, 0)),
            pl.BlockSpec((1, H1), lambda l: (0, 0)),
        ],
        out_specs=pl.BlockSpec((B, H1), lambda l: (0, 0)),
        out_shape=jax.ShapeDtypeStruct((B, H1), jnp.float32),
        scratch_shapes=[
            pltpu.VMEM((B, H1), jnp.float32),
        ],
        compiler_params=pltpu.CompilerParams(
            dimension_semantics=("arbitrary",)),
    )(oal3, ot3, oal3, ot3, w0, w0, dacc, b0)


def _tc2_body(h1, cal, ct, cd, w1, b1, w2, b2,
              wi0, bi0, wi1, bi1, wi2, bi2, out):
    f32 = jnp.float32
    u = jnp.maximum(jnp.dot(h1[...], w1[...], preferred_element_type=f32)
                    + b1[...], 0.0)
    u = jnp.dot(u, w2[...], preferred_element_type=f32) + b2[...]

    x_al = cal[...].reshape(B, 2 * E)
    x_t = ct[...].reshape(B, 2 * E)
    xi = jnp.dot(x_al, wi0[0:2 * E, :], preferred_element_type=f32)
    xi += jnp.dot(x_t[:, 0:E], wi0[2 * E:3 * E, :],
                  preferred_element_type=f32)
    xi += jnp.dot(cd[...], wi0[3 * E:3 * E + DD, :],
                  preferred_element_type=f32)
    it = jnp.maximum(xi + bi0[...], 0.0)
    it = jnp.maximum(jnp.dot(it, wi1[...], preferred_element_type=f32)
                     + bi1[...], 0.0)
    it = jnp.dot(it, wi2[...], preferred_element_type=f32) + bi2[...]

    out[...] = jnp.sum(u * it, axis=1, keepdims=True)


def _tc2(h1, oal3, ot3, cd, w1, b1, w2, b2, wi0, bi0, wi1, bi1, wi2, bi2):
    cand = pl.BlockSpec((B // 8, 8, 2 * E), lambda i: (2 * L, 0, 0))
    in_specs = [
        pl.BlockSpec((B, H1), lambda i: (0, 0)),
        cand, cand,
        pl.BlockSpec((B, DD), lambda i: (0, 0)),
    ] + [pl.BlockSpec(w.shape, lambda i: tuple(0 for _ in w.shape))
         for w in (w1, b1, w2, b2, wi0, bi0, wi1, bi1, wi2, bi2)]
    return pl.pallas_call(
        _tc2_body,
        grid=(1,),
        in_specs=in_specs,
        out_specs=pl.BlockSpec((B, 1), lambda i: (0, 0)),
        out_shape=jax.ShapeDtypeStruct((B, 1), jnp.float32),
    )(h1, oal3, ot3, cd, w1, b1, w2, b2, wi0, bi0, wi1, bi1, wi2, bi2)


def kernel(hist_ids, wish_ids, hist_dense, wish_dense, cand_ids, cand_dense,
           author_table, lang_table, tag_table,
           u_p0, u_p1, u_p2, u_p3, u_p4, u_p5,
           i_p0, i_p1, i_p2, i_p3, i_p4, i_p5):
    dacc = _tcd(jnp.transpose(hist_dense, (1, 2, 0)),
                jnp.transpose(wish_dense, (1, 2, 0)),
                u_p0, u_p0[OFF_WD + (KC - 1) * WROWS:])

    ids = jnp.concatenate([
        hist_ids.T.reshape(-1),
        wish_ids.T.reshape(-1),
        cand_ids,
        jnp.zeros((IDS_PAD - IDS_TOTAL,), hist_ids.dtype),
    ]).astype(jnp.int32)

    oal, ot = _make_sc_gather()(ids, author_table, lang_table, tag_table)
    oal3 = oal.reshape(IDS_PAD // 8, 8, 2 * E)
    ot3 = ot.reshape(IDS_PAD // 8, 8, 2 * E)

    h1 = _tc1(oal3, ot3, dacc, u_p0, u_p1.reshape(1, H1))

    return _tc2(h1, oal3, ot3, cand_dense,
                u_p2, u_p3.reshape(1, -1), u_p4, u_p5.reshape(1, -1),
                i_p0, i_p1.reshape(1, -1), i_p2, i_p3.reshape(1, -1),
                i_p4, i_p5.reshape(1, -1))

# --- scband reference (transcript-rebuilt; emitter-appended) ---
"""Pipeline reference for scband-two-tower-net-12610023981207 (READ-ONLY COPY).

The authoritative reference and input builder live on the scoring server;
editing this copy changes nothing except your own understanding.
"""

import jax, jax.numpy as jnp
import numpy as np

B = 1024
L = 50
E = 64
V = 100000
UH = [512, 256]
IH = [256, 128]
USER_IN = 7 * E * (L * 2) + 3 * (L * 2)
ITEM_IN = 7 * E + 3


def _linear_params(key, dims):
    params = []
    for i in range(len(dims) - 1):
        k1, k2, key = jax.random.split(key, 3)
        fan = dims[i]
        W = jax.random.uniform(k1, (dims[i], dims[i + 1]), jnp.float32, -1.0, 1.0) / np.sqrt(fan)
        b = jax.random.uniform(k2, (dims[i + 1],), jnp.float32, -1.0, 1.0) / np.sqrt(fan)
        params += [W, b]
    return params


def setup_inputs(seed: int = 0):
    key = jax.random.key(seed)
    ks = jax.random.split(key, 12)
    inp = {}
    inp["hist_ids"] = jax.random.randint(ks[0], (B, L), 0, V)
    inp["wish_ids"] = jax.random.randint(ks[1], (B, L), 0, V)
    inp["hist_dense"] = jax.random.normal(ks[2], (B, L, 4 * E + 3), jnp.float32)
    inp["wish_dense"] = jax.random.normal(ks[3], (B, L, 4 * E + 3), jnp.float32)
    inp["cand_ids"] = jax.random.randint(ks[4], (B,), 0, V)
    inp["cand_dense"] = jax.random.normal(ks[5], (B, 4 * E + 3), jnp.float32)
    inp["author_table"] = jax.random.normal(ks[6], (V, E), jnp.float32).at[0].set(0.0)
    inp["lang_table"] = jax.random.normal(ks[7], (V, E), jnp.float32).at[0].set(0.0)
    inp["tag_table"] = jax.random.normal(ks[8], (V, E), jnp.float32).at[0].set(0.0)
    up = _linear_params(ks[9], [USER_IN] + UH + [E])
    ip = _linear_params(ks[10], [ITEM_IN] + IH + [E])
    for i, p in enumerate(up):
        inp["u_p%d" % i] = p
    for i, p in enumerate(ip):
        inp["i_p%d" % i] = p
    return inp


def _mlp(x, params):
    n = len(params) // 2
    for i in range(n):
        x = x @ params[2 * i] + params[2 * i + 1]
        if i < n - 1:
            x = jax.nn.relu(x)
    return x


def _embed_sparse(bids, at, lt, tt):
    a = jnp.take(at, bids, axis=0)
    l = jnp.take(lt, bids, axis=0)
    t = jnp.take(tt, bids, axis=0)
    return jnp.concatenate([a, l, t.reshape(bids.shape[0], -1)], axis=1)


def reference(hist_ids, wish_ids, hist_dense, wish_dense, cand_ids, cand_dense,
              author_table, lang_table, tag_table,
              u_p0, u_p1, u_p2, u_p3, u_p4, u_p5,
              i_p0, i_p1, i_p2, i_p3, i_p4, i_p5):
    up = [u_p0, u_p1, u_p2, u_p3, u_p4, u_p5]
    ip = [i_p0, i_p1, i_p2, i_p3, i_p4, i_p5]
    Bsz = hist_ids.shape[0]
    hist_emb = _embed_sparse(hist_ids.reshape(-1), author_table, lang_table, tag_table).reshape(Bsz, L, -1)
    wish_emb = _embed_sparse(wish_ids.reshape(-1), author_table, lang_table, tag_table).reshape(Bsz, L, -1)
    x = jnp.concatenate([hist_emb.reshape(Bsz, -1), wish_emb.reshape(Bsz, -1),
                         hist_dense.reshape(Bsz, -1), wish_dense.reshape(Bsz, -1)], axis=1)
    u = _mlp(x, up)
    emb = _embed_sparse(cand_ids, author_table, lang_table, tag_table)
    xi = jnp.concatenate([emb, cand_dense], axis=1)
    it = _mlp(xi, ip)
    return (u * it).sum(axis=1, keepdims=True)

if __name__ == "__main__":
    import jax
    _d = setup_inputs()
    print(jax.jit(kernel)(*tuple(_d.values())))

</pallas_src>

<mosaic_0001>
#map = affine_map<(d0, d1) -> (0)>
#map1 = affine_map<(d0, d1) -> (0, 0)>
module attributes {stable_mosaic.version = 14 : i64} {
  func.func @_sc_gather_body(%arg0: i32, %arg1: i32, %arg2: memref<106496xi32, #tpu.memory_space<hbm>>, %arg3: memref<100000x64xf32, #tpu.memory_space<hbm>>, %arg4: memref<100000x64xf32, #tpu.memory_space<hbm>>, %arg5: memref<100000x64xf32, #tpu.memory_space<hbm>>, %arg6: memref<106496x128xf32, #tpu.memory_space<hbm>>, %arg7: memref<106496x128xf32, #tpu.memory_space<hbm>>, %arg8: memref<2x128xi32, #tpu.memory_space<vmem>>, %arg9: memref<2x128x64xf32, #tpu.memory_space<vmem>>, %arg10: memref<2x128x64xf32, #tpu.memory_space<vmem>>, %arg11: memref<2x128x64xf32, #tpu.memory_space<vmem>>, %arg12: memref<2x!tpu.dma_semaphore, #tpu.memory_space<semaphore_mem>>, %arg13: memref<2x!tpu.dma_semaphore, #tpu.memory_space<semaphore_mem>>) attributes {dimension_semantics = [#tpu.dimension_semantics<core_parallel>, #tpu.dimension_semantics<subcore_parallel>], iteration_bounds = array<i64: 2, 16>, scalar_prefetch = 0 : i64, scratch_operands = 6 : i64, tpu.core_type = #tpu.core_type<sc_vector_subcore>, window_params = [{transform_indices = #map}, {transform_indices = #map1}, {transform_indices = #map1}, {transform_indices = #map1}, {transform_indices = #map1}, {transform_indices = #map1}]} {
    %mul3A = arith.constant 2 : i32
    %mul3A_0 = arith.muli %arg1, %mul3A : i32
    %add3A = arith.addi %mul3A_0, %arg0 : i32
    %mul3A_1 = arith.constant 3328 : i32
    %mul3A_2 = arith.muli %add3A, %mul3A_1 : i32
    %add3A_3 = arith.constant 0 : i32
    %add3A_4 = arith.addi %mul3A_2, %add3A_3 : i32
    %run_scoped3A = arith.constant 0 : i32
    "tpu.region"() ({
      %run_scoped3A_153 = tpu.sem_alloc : memref<!tpu.dma_semaphore, #tpu.memory_space<semaphore_mem>>
      %dma_start3A_154 = arith.constant 0 : i32
      %dma_start3A_155 = tpu.memref_slice %arg8[%run_scoped3A, %dma_start3A_154] : memref<2x128xi32, #tpu.memory_space<vmem>> -> memref<1x128xi32, #tpu.memory_space<vmem>>
      %dma_start3A_156 = tpu.memref_squeeze %dma_start3A_155 : memref<1x128xi32, #tpu.memory_space<vmem>> -> memref<128xi32, #tpu.memory_space<vmem>>
      %dma_start3A_157 = tpu.memref_slice %arg2[%add3A_4] : memref<106496xi32, #tpu.memory_space<hbm>> -> memref<128xi32, #tpu.memory_space<hbm>>
      %dma_start3A_158 = arith.constant 0 : i32
      %dma_start3A_159 = tpu.memref_slice %arg8[%run_scoped3A, %dma_start3A_158] : memref<2x128xi32, #tpu.memory_space<vmem>> -> memref<1x128xi32, #tpu.memory_space<vmem>>
      %dma_start3A_160 = tpu.memref_squeeze %dma_start3A_159 : memref<1x128xi32, #tpu.memory_space<vmem>> -> memref<128xi32, #tpu.memory_space<vmem>>
      %dma_start3A_161 = tpu.memref_slice %arg2[%add3A_4] : memref<106496xi32, #tpu.memory_space<hbm>> -> memref<128xi32, #tpu.memory_space<hbm>>
      tpu.enqueue_dma source(%dma_start3A_161 : memref<128xi32, #tpu.memory_space<hbm>>) target(%dma_start3A_160 : memref<128xi32, #tpu.memory_space<vmem>>) target_semaphore(%run_scoped3A_153 : memref<!tpu.dma_semaphore, #tpu.memory_space<semaphore_mem>>)
      %dma_wait3A_162 = arith.constant 0 : i32
      %dma_wait3A_163 = tpu.memref_slice %arg8[%run_scoped3A, %dma_wait3A_162] : memref<2x128xi32, #tpu.memory_space<vmem>> -> memref<1x128xi32, #tpu.memory_space<vmem>>
      %dma_wait3A_164 = tpu.memref_squeeze %dma_wait3A_163 : memref<1x128xi32, #tpu.memory_space<vmem>> -> memref<128xi32, #tpu.memory_space<vmem>>
      %dma_wait3A_165 = tpu.memref_slice %arg2[%add3A_4] : memref<106496xi32, #tpu.memory_space<hbm>> -> memref<128xi32, #tpu.memory_space<hbm>>
      %dma_wait3A_166 = arith.constant 0 : i32
      %dma_wait3A_167 = tpu.memref_slice %arg8[%run_scoped3A, %dma_wait3A_166] : memref<2x128xi32, #tpu.memory_space<vmem>> -> memref<1x128xi32, #tpu.memory_space<vmem>>
      %dma_wait3A_168 = tpu.memref_squeeze %dma_wait3A_167 : memref<1x128xi32, #tpu.memory_space<vmem>> -> memref<128xi32, #tpu.memory_space<vmem>>
      %dma_wait3A_169 = tpu.memref_slice %arg2[%add3A_4] : memref<106496xi32, #tpu.memory_space<hbm>> -> memref<128xi32, #tpu.memory_space<hbm>>
      tpu.wait_dma2 semaphore(%run_scoped3A_153 : memref<!tpu.dma_semaphore, #tpu.memory_space<semaphore_mem>>) src(%dma_wait3A_169 : memref<128xi32, #tpu.memory_space<hbm>>) dst(%dma_wait3A_168 : memref<128xi32, #tpu.memory_space<vmem>>)
      tpu.yield
    }) : () -> ()
    %dma_start3A = arith.constant 0 : i32
    %dma_start3A_5 = arith.constant 0 : i32
    %dma_start3A_6 = arith.constant 0 : i32
    %dma_start3A_7 = arith.constant 0 : i32
    %dma_start3A_8 = arith.constant 0 : i32
    %dma_start3A_9 = tpu.memref_slice %arg9[%dma_start3A_5, %dma_start3A_7, %dma_start3A_8] : memref<2x128x64xf32, #tpu.memory_space<vmem>> -> memref<1x128x64xf32, #tpu.memory_space<vmem>>
    %dma_start3A_10 = tpu.memref_squeeze %dma_start3A_9 : memref<1x128x64xf32, #tpu.memory_space<vmem>> -> memref<128x64xf32, #tpu.memory_space<vmem>>
    %dma_start3A_11 = arith.constant 0 : i32
    %dma_start3A_12 = tpu.memref_slice %arg8[%dma_start3A, %dma_start3A_11] : memref<2x128xi32, #tpu.memory_space<vmem>> -> memref<1x128xi32, #tpu.memory_space<vmem>>
    %dma_start3A_13 = tpu.memref_squeeze %dma_start3A_12 : memref<1x128xi32, #tpu.memory_space<vmem>> -> memref<128xi32, #tpu.memory_space<vmem>>
    %dma_start3A_14 = arith.constant 0 : i32
    %dma_start3A_15 = arith.constant 0 : i32
    %dma_start3A_16 = tpu.memref_slice %arg3[%dma_start3A_14, %dma_start3A_15] : memref<100000x64xf32, #tpu.memory_space<hbm>> -> memref<100000x64xf32, #tpu.memory_space<hbm>>
    %dma_start3A_17 = tpu.memref_slice %arg12[%dma_start3A_6] : memref<2x!tpu.dma_semaphore, #tpu.memory_space<semaphore_mem>> -> memref<1x!tpu.dma_semaphore, #tpu.memory_space<semaphore_mem>>
    %dma_start3A_18 = tpu.memref_squeeze %dma_start3A_17 : memref<1x!tpu.dma_semaphore, #tpu.memory_space<semaphore_mem>> -> memref<!tpu.dma_semaphore, #tpu.memory_space<semaphore_mem>>
    tpu.enqueue_indirect_dma source(%dma_start3A_16 : memref<100000x64xf32, #tpu.memory_space<hbm>>) target(%dma_start3A_10 : memref<128x64xf32, #tpu.memory_space<vmem>>) offsets(%dma_start3A_13 : memref<128xi32, #tpu.memory_space<vmem>>) semaphore(%dma_start3A_18 : memref<!tpu.dma_semaphore, #tpu.memory_space<semaphore_mem>>)
    %dma_start3A_19 = arith.constant 0 : i32
    %dma_start3A_20 = arith.constant 0 : i32
    %dma_start3A_21 = arith.constant 0 : i32
    %dma_start3A_22 = arith.constant 0 : i32
    %dma_start3A_23 = arith.constant 0 : i32
    %dma_start3A_24 = tpu.memref_slice %arg10[%dma_start3A_20, %dma_start3A_22, %dma_start3A_23] : memref<2x128x64xf32, #tpu.memory_space<vmem>> -> memref<1x128x64xf32, #tpu.memory_space<vmem>>
    %dma_start3A_25 = tpu.memref_squeeze %dma_start3A_24 : memref<1x128x64xf32, #tpu.memory_space<vmem>> -> memref<128x64xf32, #tpu.memory_space<vmem>>
    %dma_start3A_26 = arith.constant 0 : i32
    %dma_start3A_27 = tpu.memref_slice %arg8[%dma_start3A_19, %dma_start3A_26] : memref<2x128xi32, #tpu.memory_space<vmem>> -> memref<1x128xi32, #tpu.memory_space<vmem>>
    %dma_start3A_28 = tpu.memref_squeeze %dma_start3A_27 : memref<1x128xi32, #tpu.memory_space<vmem>> -> memref<128xi32, #tpu.memory_space<vmem>>
    %dma_start3A_29 = arith.constant 0 : i32
    %dma_start3A_30 = arith.constant 0 : i32
    %dma_start3A_31 = tpu.memref_slice %arg4[%dma_start3A_29, %dma_start3A_30] : memref<100000x64xf32, #tpu.memory_space<hbm>> -> memref<100000x64xf32, #tpu.memory_space<hbm>>
    %dma_start3A_32 = tpu.memref_slice %arg12[%dma_start3A_21] : memref<2x!tpu.dma_semaphore, #tpu.memory_space<semaphore_mem>> -> memref<1x!tpu.dma_semaphore, #tpu.memory_space<semaphore_mem>>
    %dma_start3A_33 = tpu.memref_squeeze %dma_start3A_32 : memref<1x!tpu.dma_semaphore, #tpu.memory_space<semaphore_mem>> -> memref<!tpu.dma_semaphore, #tpu.memory_space<semaphore_mem>>
    tpu.enqueue_indirect_dma source(%dma_start3A_31 : memref<100000x64xf32, #tpu.memory_space<hbm>>) target(%dma_start3A_25 : memref<128x64xf32, #tpu.memory_space<vmem>>) offsets(%dma_start3A_28 : memref<128xi32, #tpu.memory_space<vmem>>) semaphore(%dma_start3A_33 : memref<!tpu.dma_semaphore, #tpu.memory_space<semaphore_mem>>)
    %dma_start3A_34 = arith.constant 0 : i32
    %dma_start3A_35 = arith.constant 0 : i32
    %dma_start3A_36 = arith.constant 0 : i32
    %dma_start3A_37 = arith.constant 0 : i32
    %dma_start3A_38 = arith.constant 0 : i32
    %dma_start3A_39 = tpu.memref_slice %arg11[%dma_start3A_35, %dma_start3A_37, %dma_start3A_38] : memref<2x128x64xf32, #tpu.memory_space<vmem>> -> memref<1x128x64xf32, #tpu.memory_space<vmem>>
    %dma_start3A_40 = tpu.memref_squeeze %dma_start3A_39 : memref<1x128x64xf32, #tpu.memory_space<vmem>> -> memref<128x64xf32, #tpu.memory_space<vmem>>
    %dma_start3A_41 = arith.constant 0 : i32
    %dma_start3A_42 = tpu.memref_slice %arg8[%dma_start3A_34, %dma_start3A_41] : memref<2x128xi32, #tpu.memory_space<vmem>> -> memref<1x128xi32, #tpu.memory_space<vmem>>
    %dma_start3A_43 = tpu.memref_squeeze %dma_start3A_42 : memref<1x128xi32, #tpu.memory_space<vmem>> -> memref<128xi32, #tpu.memory_space<vmem>>
    %dma_start3A_44 = arith.constant 0 : i32
    %dma_start3A_45 = arith.constant 0 : i32
    %dma_start3A_46 = tpu.memref_slice %arg5[%dma_start3A_44, %dma_start3A_45] : memref<100000x64xf32, #tpu.memory_space<hbm>> -> memref<100000x64xf32, #tpu.memory_space<hbm>>
    %dma_start3A_47 = tpu.memref_slice %arg12[%dma_start3A_36] : memref<2x!tpu.dma_semaphore, #tpu.memory_space<semaphore_mem>> -> memref<1x!tpu.dma_semaphore, #tpu.memory_space<semaphore_mem>>
    %dma_start3A_48 = tpu.memref_squeeze %dma_start3A_47 : memref<1x!tpu.dma_semaphore, #tpu.memory_space<semaphore_mem>> -> memref<!tpu.dma_semaphore, #tpu.memory_space<semaphore_mem>>
    tpu.enqueue_indirect_dma source(%dma_start3A_46 : memref<100000x64xf32, #tpu.memory_space<hbm>>) target(%dma_start3A_40 : memref<128x64xf32, #tpu.memory_space<vmem>>) offsets(%dma_start3A_43 : memref<128xi32, #tpu.memory_space<vmem>>) semaphore(%dma_start3A_48 : memref<!tpu.dma_semaphore, #tpu.memory_space<semaphore_mem>>)
    %scan3A = arith.constant 0 : i32
    %scan3A_49 = arith.constant 0 : i32
    %scan3A_50 = arith.constant 26 : i32
    %scan3A_51 = arith.addi %scan3A_49, %scan3A_50 : i32
    %scan3A_52 = arith.constant 1 : i32
    scf.for %scan3A_153 = %scan3A_49 to %scan3A_51 step %scan3A_52  : i32 {
      %rem3A = arith.constant 2 : i32
      %rem3A_154 = arith.remsi %scan3A_153, %rem3A : i32
      %add3A_155 = arith.constant 1 : i32
      %add3A_156 = arith.addi %scan3A_153, %add3A_155 : i32
      %rem3A_157 = arith.constant 2 : i32
      %rem3A_158 = arith.remsi %add3A_156, %rem3A_157 : i32
      %add3A_159 = arith.constant 1 : i32
      %add3A_160 = arith.addi %scan3A_153, %add3A_159 : i32
      %lt3A = arith.constant 26 : i32
      %lt3A_161 = arith.cmpi slt, %add3A_160, %lt3A : i32
      %convert_element_type3A = arith.extui %lt3A_161 : i1 to i32
      %cond3A = arith.constant 0 : i32
      %cond3A_162 = arith.cmpi ne, %convert_element_type3A, %cond3A : i32
      scf.if %cond3A_162 {
        %ge3A = arith.constant 1 : i32
        %ge3A_244 = arith.cmpi sge, %scan3A_153, %ge3A : i32
        %convert_element_type3A_245 = arith.extui %ge3A_244 : i1 to i32
        %cond3A_246 = arith.constant 0 : i32
        %cond3A_247 = arith.cmpi ne, %convert_element_type3A_245, %cond3A_246 : i32
        scf.if %cond3A_247 {
          %add3A_289 = arith.constant 1 : i32
          %add3A_290 = arith.addi %scan3A_153, %add3A_289 : i32
          %mul3A_291 = arith.constant 128 : i32
          %mul3A_292 = arith.muli %add3A_290, %mul3A_291 : i32
          %add3A_293 = arith.addi %mul3A_2, %mul3A_292 : i32
          %dma_wait3A_294 = arith.constant 0 : i32
          %dma_wait3A_295 = arith.constant 0 : i32
          %dma_wait3A_296 = tpu.memref_slice %arg9[%rem3A_158, %dma_wait3A_294, %dma_wait3A_295] : memref<2x128x64xf32, #tpu.memory_space<vmem>> -> memref<1x128x64xf32, #tpu.memory_space<vmem>>
          %dma_wait3A_297 = tpu.memref_squeeze %dma_wait3A_296 : memref<1x128x64xf32, #tpu.memory_space<vmem>> -> memref<128x64xf32, #tpu.memory_space<vmem>>
          %dma_wait3A_298 = arith.constant 0 : i32
          %dma_wait3A_299 = tpu.memref_slice %arg6[%add3A_293, %dma_wait3A_298] : memref<106496x128xf32, #tpu.memory_space<hbm>> -> memref<128x64xf32, #tpu.memory_space<hbm>>
          %dma_wait3A_300 = tpu.memref_slice %arg13[%rem3A_158] : memref<2x!tpu.dma_semaphore, #tpu.memory_space<semaphore_mem>> -> memref<1x!tpu.dma_semaphore, #tpu.memory_space<semaphore_mem>>
          %dma_wait3A_301 = tpu.memref_squeeze %dma_wait3A_300 : memref<1x!tpu.dma_semaphore, #tpu.memory_space<semaphore_mem>> -> memref<!tpu.dma_semaphore, #tpu.memory_space<semaphore_mem>>
          %dma_wait3A_302 = arith.constant 0 : i32
          %dma_wait3A_303 = tpu.memref_slice %arg6[%add3A_293, %dma_wait3A_302] : memref<106496x128xf32, #tpu.memory_space<hbm>> -> memref<128x64xf32, #tpu.memory_space<hbm>>
          %dma_wait3A_304 = arith.constant 0 : i32
          %dma_wait3A_305 = arith.constant 0 : i32
          %dma_wait3A_306 = tpu.memref_slice %arg9[%rem3A_158, %dma_wait3A_304, %dma_wait3A_305] : memref<2x128x64xf32, #tpu.memory_space<vmem>> -> memref<1x128x64xf32, #tpu.memory_space<vmem>>
          %dma_wait3A_307 = tpu.memref_squeeze %dma_wait3A_306 : memref<1x128x64xf32, #tpu.memory_space<vmem>> -> memref<128x64xf32, #tpu.memory_space<vmem>>
          tpu.wait_dma2 semaphore(%dma_wait3A_301 : memref<!tpu.dma_semaphore, #tpu.memory_space<semaphore_mem>>) src(%dma_wait3A_307 : memref<128x64xf32, #tpu.memory_space<vmem>>) dst(%dma_wait3A_303 : memref<128x64xf32, #tpu.memory_space<hbm>>)
          %dma_wait3A_308 = arith.constant 0 : i32
          %dma_wait3A_309 = arith.constant 0 : i32
          %dma_wait3A_310 = tpu.memref_slice %arg10[%rem3A_158, %dma_wait3A_308, %dma_wait3A_309] : memref<2x128x64xf32, #tpu.memory_space<vmem>> -> memref<1x128x64xf32, #tpu.memory_space<vmem>>
          %dma_wait3A_311 = tpu.memref_squeeze %dma_wait3A_310 : memref<1x128x64xf32, #tpu.memory_space<vmem>> -> memref<128x64xf32, #tpu.memory_space<vmem>>
          %dma_wait3A_312 = arith.constant 64 : i32
          %dma_wait3A_313 = tpu.memref_slice %arg6[%add3A_293, %dma_wait3A_312] : memref<106496x128xf32, #tpu.memory_space<hbm>> -> memref<128x64xf32, #tpu.memory_space<hbm>>
          %dma_wait3A_314 = tpu.memref_slice %arg13[%rem3A_158] : memref<2x!tpu.dma_semaphore, #tpu.memory_space<semaphore_mem>> -> memref<1x!tpu.dma_semaphore, #tpu.memory_space<semaphore_mem>>
          %dma_wait3A_315 = tpu.memref_squeeze %dma_wait3A_314 : memref<1x!tpu.dma_semaphore, #tpu.memory_space<semaphore_mem>> -> memref<!tpu.dma_semaphore, #tpu.memory_space<semaphore_mem>>
          %dma_wait3A_316 = arith.constant 64 : i32
          %dma_wait3A_317 = tpu.memref_slice %arg6[%add3A_293, %dma_wait3A_316] : memref<106496x128xf32, #tpu.memory_space<hbm>> -> memref<128x64xf32, #tpu.memory_space<hbm>>
          %dma_wait3A_318 = arith.constant 0 : i32
          %dma_wait3A_319 = arith.constant 0 : i32
          %dma_wait3A_320 = tpu.memref_slice %arg10[%rem3A_158, %dma_wait3A_318, %dma_wait3A_319] : memref<2x128x64xf32, #tpu.memory_space<vmem>> -> memref<1x128x64xf32, #tpu.memory_space<vmem>>
          %dma_wait3A_321 = tpu.memref_squeeze %dma_wait3A_320 : memref<1x128x64xf32, #tpu.memory_space<vmem>> -> memref<128x64xf32, #tpu.memory_space<vmem>>
          tpu.wait_dma2 semaphore(%dma_wait3A_315 : memref<!tpu.dma_semaphore, #tpu.memory_space<semaphore_mem>>) src(%dma_wait3A_321 : memref<128x64xf32, #tpu.memory_space<vmem>>) dst(%dma_wait3A_317 : memref<128x64xf32, #tpu.memory_space<hbm>>)
          %dma_wait3A_322 = arith.constant 0 : i32
          %dma_wait3A_323 = arith.constant 0 : i32
          %dma_wait3A_324 = tpu.memref_slice %arg11[%rem3A_158, %dma_wait3A_322, %dma_wait3A_323] : memref<2x128x64xf32, #tpu.memory_space<vmem>> -> memref<1x128x64xf32, #tpu.memory_space<vmem>>
          %dma_wait3A_325 = tpu.memref_squeeze %dma_wait3A_324 : memref<1x128x64xf32, #tpu.memory_space<vmem>> -> memref<128x64xf32, #tpu.memory_space<vmem>>
          %dma_wait3A_326 = arith.constant 0 : i32
          %dma_wait3A_327 = tpu.memref_slice %arg7[%add3A_293, %dma_wait3A_326] : memref<106496x128xf32, #tpu.memory_space<hbm>> -> memref<128x64xf32, #tpu.memory_space<hbm>>
          %dma_wait3A_328 = tpu.memref_slice %arg13[%rem3A_158] : memref<2x!tpu.dma_semaphore, #tpu.memory_space<semaphore_mem>> -> memref<1x!tpu.dma_semaphore, #tpu.memory_space<semaphore_mem>>
          %dma_wait3A_329 = tpu.memref_squeeze %dma_wait3A_328 : memref<1x!tpu.dma_semaphore, #tpu.memory_space<semaphore_mem>> -> memref<!tpu.dma_semaphore, #tpu.memory_space<semaphore_mem>>
          %dma_wait3A_330 = arith.constant 0 : i32
          %dma_wait3A_331 = tpu.memref_slice %arg7[%add3A_293, %dma_wait3A_330] : memref<106496x128xf32, #tpu.memory_space<hbm>> -> memref<128x64xf32, #tpu.memory_space<hbm>>
          %dma_wait3A_332 = arith.constant 0 : i32
          %dma_wait3A_333 = arith.constant 0 : i32
          %dma_wait3A_334 = tpu.memref_slice %arg11[%rem3A_158, %dma_wait3A_332, %dma_wait3A_333] : memref<2x128x64xf32, #tpu.memory_space<vmem>> -> memref<1x128x64xf32, #tpu.memory_space<vmem>>
          %dma_wait3A_335 = tpu.memref_squeeze %dma_wait3A_334 : memref<1x128x64xf32, #tpu.memory_space<vmem>> -> memref<128x64xf32, #tpu.memory_space<vmem>>
          tpu.wait_dma2 semaphore(%dma_wait3A_329 : memref<!tpu.dma_semaphore, #tpu.memory_space<semaphore_mem>>) src(%dma_wait3A_335 : memref<128x64xf32, #tpu.memory_space<vmem>>) dst(%dma_wait3A_331 : memref<128x64xf32, #tpu.memory_space<hbm>>)
        } else {
        }
        %add3A_248 = arith.constant 1 : i32
        %add3A_249 = arith.addi %scan3A_153, %add3A_248 : i32
        %mul3A_250 = arith.constant 128 : i32
        %mul3A_251 = arith.muli %add3A_249, %mul3A_250 : i32
        %add3A_252 = arith.addi %mul3A_2, %mul3A_251 : i32
        "tpu.region"() ({
          %run_scoped3A_289 = tpu.sem_alloc : memref<!tpu.dma_semaphore, #tpu.memory_space<semaphore_mem>>
          %dma_start3A_290 = arith.constant 0 : i32
          %dma_start3A_291 = tpu.memref_slice %arg8[%rem3A_158, %dma_start3A_290] : memref<2x128xi32, #tpu.memory_space<vmem>> -> memref<1x128xi32, #tpu.memory_space<vmem>>
          %dma_start3A_292 = tpu.memref_squeeze %dma_start3A_291 : memref<1x128xi32, #tpu.memory_space<vmem>> -> memref<128xi32, #tpu.memory_space<vmem>>
          %dma_start3A_293 = tpu.memref_slice %arg2[%add3A_252] : memref<106496xi32, #tpu.memory_space<hbm>> -> memref<128xi32, #tpu.memory_space<hbm>>
          %dma_start3A_294 = arith.constant 0 : i32
          %dma_start3A_295 = tpu.memref_slice %arg8[%rem3A_158, %dma_start3A_294] : memref<2x128xi32, #tpu.memory_space<vmem>> -> memref<1x128xi32, #tpu.memory_space<vmem>>
          %dma_start3A_296 = tpu.memref_squeeze %dma_start3A_295 : memref<1x128xi32, #tpu.memory_space<vmem>> -> memref<128xi32, #tpu.memory_space<vmem>>
          %dma_start3A_297 = tpu.memref_slice %arg2[%add3A_252] : memref<106496xi32, #tpu.memory_space<hbm>> -> memref<128xi32, #tpu.memory_space<hbm>>
          tpu.enqueue_dma source(%dma_start3A_297 : memref<128xi32, #tpu.memory_space<hbm>>) target(%dma_start3A_296 : memref<128xi32, #tpu.memory_space<vmem>>) target_semaphore(%run_scoped3A_289 : memref<!tpu.dma_semaphore, #tpu.memory_space<semaphore_mem>>)
          %dma_wait3A_298 = arith.constant 0 : i32
          %dma_wait3A_299 = tpu.memref_slice %arg8[%rem3A_158, %dma_wait3A_298] : memref<2x128xi32, #tpu.memory_space<vmem>> -> memref<1x128xi32, #tpu.memory_space<vmem>>
          %dma_wait3A_300 = tpu.memref_squeeze %dma_wait3A_299 : memref<1x128xi32, #tpu.memory_space<vmem>> -> memref<128xi32, #tpu.memory_space<vmem>>
          %dma_wait3A_301 = tpu.memref_slice %arg2[%add3A_252] : memref<106496xi32, #tpu.memory_space<hbm>> -> memref<128xi32, #tpu.memory_space<hbm>>
          %dma_wait3A_302 = arith.constant 0 : i32
          %dma_wait3A_303 = tpu.memref_slice %arg8[%rem3A_158, %dma_wait3A_302] : memref<2x128xi32, #tpu.memory_space<vmem>> -> memref<1x128xi32, #tpu.memory_space<vmem>>
          %dma_wait3A_304 = tpu.memref_squeeze %dma_wait3A_303 : memref<1x128xi32, #tpu.memory_space<vmem>> -> memref<128xi32, #tpu.memory_space<vmem>>
          %dma_wait3A_305 = tpu.memref_slice %arg2[%add3A_252] : memref<106496xi32, #tpu.memory_space<hbm>> -> memref<128xi32, #tpu.memory_space<hbm>>
          tpu.wait_dma2 semaphore(%run_scoped3A_289 : memref<!tpu.dma_semaphore, #tpu.memory_space<semaphore_mem>>) src(%dma_wait3A_305 : memref<128xi32, #tpu.memory_space<hbm>>) dst(%dma_wait3A_304 : memref<128xi32, #tpu.memory_space<vmem>>)
          tpu.yield
        }) : () -> ()
        %dma_start3A_253 = arith.constant 0 : i32
        %dma_start3A_254 = arith.constant 0 : i32
        %dma_start3A_255 = tpu.memref_slice %arg9[%rem3A_158, %dma_start3A_253, %dma_start3A_254] : memref<2x128x64xf32, #tpu.memory_space<vmem>> -> memref<1x128x64xf32, #tpu.memory_space<vmem>>
        %dma_start3A_256 = tpu.memref_squeeze %dma_start3A_255 : memref<1x128x64xf32, #tpu.memory_space<vmem>> -> memref<128x64xf32, #tpu.memory_space<vmem>>
        %dma_start3A_257 = arith.constant 0 : i32
        %dma_start3A_258 = tpu.memref_slice %arg8[%rem3A_158, %dma_start3A_257] : memref<2x128xi32, #tpu.memory_space<vmem>> -> memref<1x128xi32, #tpu.memory_space<vmem>>
        %dma_start3A_259 = tpu.memref_squeeze %dma_start3A_258 : memref<1x128xi32, #tpu.memory_space<vmem>> -> memref<128xi32, #tpu.memory_space<vmem>>
        %dma_start3A_260 = arith.constant 0 : i32
        %dma_start3A_261 = arith.constant 0 : i32
        %dma_start3A_262 = tpu.memref_slice %arg3[%dma_start3A_260, %dma_start3A_261] : memref<100000x64xf32, #tpu.memory_space<hbm>> -> memref<100000x64xf32, #tpu.memory_space<hbm>>
        %dma_start3A_263 = tpu.memref_slice %arg12[%rem3A_158] : memref<2x!tpu.dma_semaphore, #tpu.memory_space<semaphore_mem>> -> memref<1x!tpu.dma_semaphore, #tpu.memory_space<semaphore_mem>>
        %dma_start3A_264 = tpu.memref_squeeze %dma_start3A_263 : memref<1x!tpu.dma_semaphore, #tpu.memory_space<semaphore_mem>> -> memref<!tpu.dma_semaphore, #tpu.memory_space<semaphore_mem>>
        tpu.enqueue_indirect_dma source(%dma_start3A_262 : memref<100000x64xf32, #tpu.memory_space<hbm>>) target(%dma_start3A_256 : memref<128x64xf32, #tpu.memory_space<vmem>>) offsets(%dma_start3A_259 : memref<128xi32, #tpu.memory_space<vmem>>) semaphore(%dma_start3A_264 : memref<!tpu.dma_semaphore, #tpu.memory_space<semaphore_mem>>)
        %dma_start3A_265 = arith.constant 0 : i32
        %dma_start3A_266 = arith.constant 0 : i32
        %dma_start3A_267 = tpu.memref_slice %arg10[%rem3A_158, %dma_start3A_265, %dma_start3A_266] : memref<2x128x64xf32, #tpu.memory_space<vmem>> -> memref<1x128x64xf32, #tpu.memory_space<vmem>>
        %dma_start3A_268 = tpu.memref_squeeze %dma_start3A_267 : memref<1x128x64xf32, #tpu.memory_space<vmem>> -> memref<128x64xf32, #tpu.memory_space<vmem>>
        %dma_start3A_269 = arith.constant 0 : i32
        %dma_start3A_270 = tpu.memref_slice %arg8[%rem3A_158, %dma_start3A_269] : memref<2x128xi32, #tpu.memory_space<vmem>> -> memref<1x128xi32, #tpu.memory_space<vmem>>
        %dma_start3A_271 = tpu.memref_squeeze %dma_start3A_270 : memref<1x128xi32, #tpu.memory_space<vmem>> -> memref<128xi32, #tpu.memory_space<vmem>>
        %dma_start3A_272 = arith.constant 0 : i32
        %dma_start3A_273 = arith.constant 0 : i32
        %dma_start3A_274 = tpu.memref_slice %arg4[%dma_start3A_272, %dma_start3A_273] : memref<100000x64xf32, #tpu.memory_space<hbm>> -> memref<100000x64xf32, #tpu.memory_space<hbm>>
        %dma_start3A_275 = tpu.memref_slice %arg12[%rem3A_158] : memref<2x!tpu.dma_semaphore, #tpu.memory_space<semaphore_mem>> -> memref<1x!tpu.dma_semaphore, #tpu.memory_space<semaphore_mem>>
        %dma_start3A_276 = tpu.memref_squeeze %dma_start3A_275 : memref<1x!tpu.dma_semaphore, #tpu.memory_space<semaphore_mem>> -> memref<!tpu.dma_semaphore, #tpu.memory_space<semaphore_mem>>
        tpu.enqueue_indirect_dma source(%dma_start3A_274 : memref<100000x64xf32, #tpu.memory_space<hbm>>) target(%dma_start3A_268 : memref<128x64xf32, #tpu.memory_space<vmem>>) offsets(%dma_start3A_271 : memref<128xi32, #tpu.memory_space<vmem>>) semaphore(%dma_start3A_276 : memref<!tpu.dma_semaphore, #tpu.memory_space<semaphore_mem>>)
        %dma_start3A_277 = arith.constant 0 : i32
        %dma_start3A_278 = arith.constant 0 : i32
        %dma_start3A_279 = tpu.memref_slice %arg11[%rem3A_158, %dma_start3A_277, %dma_start3A_278] : memref<2x128x64xf32, #tpu.memory_space<vmem>> -> memref<1x128x64xf32, #tpu.memory_space<vmem>>
        %dma_start3A_280 = tpu.memref_squeeze %dma_start3A_279 : memref<1x128x64xf32, #tpu.memory_space<vmem>> -> memref<128x64xf32, #tpu.memory_space<vmem>>
        %dma_start3A_281 = arith.constant 0 : i32
        %dma_start3A_282 = tpu.memref_slice %arg8[%rem3A_158, %dma_start3A_281] : memref<2x128xi32, #tpu.memory_space<vmem>> -> memref<1x128xi32, #tpu.memory_space<vmem>>
        %dma_start3A_283 = tpu.memref_squeeze %dma_start3A_282 : memref<1x128xi32, #tpu.memory_space<vmem>> -> memref<128xi32, #tpu.memory_space<vmem>>
        %dma_start3A_284 = arith.constant 0 : i32
        %dma_start3A_285 = arith.constant 0 : i32
        %dma_start3A_286 = tpu.memref_slice %arg5[%dma_start3A_284, %dma_start3A_285] : memref<100000x64xf32, #tpu.memory_space<hbm>> -> memref<100000x64xf32, #tpu.memory_space<hbm>>
        %dma_start3A_287 = tpu.memref_slice %arg12[%rem3A_158] : memref<2x!tpu.dma_semaphore, #tpu.memory_space<semaphore_mem>> -> memref<1x!tpu.dma_semaphore, #tpu.memory_space<semaphore_mem>>
        %dma_start3A_288 = tpu.memref_squeeze %dma_start3A_287 : memref<1x!tpu.dma_semaphore, #tpu.memory_space<semaphore_mem>> -> memref<!tpu.dma_semaphore, #tpu.memory_space<semaphore_mem>>
        tpu.enqueue_indirect_dma source(%dma_start3A_286 : memref<100000x64xf32, #tpu.memory_space<hbm>>) target(%dma_start3A_280 : memref<128x64xf32, #tpu.memory_space<vmem>>) offsets(%dma_start3A_283 : memref<128xi32, #tpu.memory_space<vmem>>) semaphore(%dma_start3A_288 : memref<!tpu.dma_semaphore, #tpu.memory_space<semaphore_mem>>)
      } else {
      }
      %dma_wait3A_163 = arith.constant 0 : i32
      %dma_wait3A_164 = arith.constant 0 : i32
      %dma_wait3A_165 = tpu.memref_slice %arg9[%rem3A_154, %dma_wait3A_163, %dma_wait3A_164] : memref<2x128x64xf32, #tpu.memory_space<vmem>> -> memref<1x128x64xf32, #tpu.memory_space<vmem>>
      %dma_wait3A_166 = tpu.memref_squeeze %dma_wait3A_165 : memref<1x128x64xf32, #tpu.memory_space<vmem>> -> memref<128x64xf32, #tpu.memory_space<vmem>>
      %dma_wait3A_167 = arith.constant 0 : i32
      %dma_wait3A_168 = tpu.memref_slice %arg8[%rem3A_154, %dma_wait3A_167] : memref<2x128xi32, #tpu.memory_space<vmem>> -> memref<1x128xi32, #tpu.memory_space<vmem>>
      %dma_wait3A_169 = tpu.memref_squeeze %dma_wait3A_168 : memref<1x128xi32, #tpu.memory_space<vmem>> -> memref<128xi32, #tpu.memory_space<vmem>>
      %dma_wait3A_170 = arith.constant 0 : i32
      %dma_wait3A_171 = arith.constant 0 : i32
      %dma_wait3A_172 = tpu.memref_slice %arg3[%dma_wait3A_170, %dma_wait3A_171] : memref<100000x64xf32, #tpu.memory_space<hbm>> -> memref<100000x64xf32, #tpu.memory_space<hbm>>
      %dma_wait3A_173 = tpu.memref_slice %arg12[%rem3A_154] : memref<2x!tpu.dma_semaphore, #tpu.memory_space<semaphore_mem>> -> memref<1x!tpu.dma_semaphore, #tpu.memory_space<semaphore_mem>>
      %dma_wait3A_174 = tpu.memref_squeeze %dma_wait3A_173 : memref<1x!tpu.dma_semaphore, #tpu.memory_space<semaphore_mem>> -> memref<!tpu.dma_semaphore, #tpu.memory_space<semaphore_mem>>
      tpu.wait_indirect_dma semaphore(%dma_wait3A_174 : memref<!tpu.dma_semaphore, #tpu.memory_space<semaphore_mem>>) src(%dma_wait3A_172 : memref<100000x64xf32, #tpu.memory_space<hbm>>) dst(%dma_wait3A_166 : memref<128x64xf32, #tpu.memory_space<vmem>>)
      %dma_wait3A_175 = arith.constant 0 : i32
      %dma_wait3A_176 = arith.constant 0 : i32
      %dma_wait3A_177 = tpu.memref_slice %arg10[%rem3A_154, %dma_wait3A_175, %dma_wait3A_176] : memref<2x128x64xf32, #tpu.memory_space<vmem>> -> memref<1x128x64xf32, #tpu.memory_space<vmem>>
      %dma_wait3A_178 = tpu.memref_squeeze %dma_wait3A_177 : memref<1x128x64xf32, #tpu.memory_space<vmem>> -> memref<128x64xf32, #tpu.memory_space<vmem>>
      %dma_wait3A_179 = arith.constant 0 : i32
      %dma_wait3A_180 = tpu.memref_slice %arg8[%rem3A_154, %dma_wait3A_179] : memref<2x128xi32, #tpu.memory_space<vmem>> -> memref<1x128xi32, #tpu.memory_space<vmem>>
      %dma_wait3A_181 = tpu.memref_squeeze %dma_wait3A_180 : memref<1x128xi32, #tpu.memory_space<vmem>> -> memref<128xi32, #tpu.memory_space<vmem>>
      %dma_wait3A_182 = arith.constant 0 : i32
      %dma_wait3A_183 = arith.constant 0 : i32
      %dma_wait3A_184 = tpu.memref_slice %arg4[%dma_wait3A_182, %dma_wait3A_183] : memref<100000x64xf32, #tpu.memory_space<hbm>> -> memref<100000x64xf32, #tpu.memory_space<hbm>>
      %dma_wait3A_185 = tpu.memref_slice %arg12[%rem3A_154] : memref<2x!tpu.dma_semaphore, #tpu.memory_space<semaphore_mem>> -> memref<1x!tpu.dma_semaphore, #tpu.memory_space<semaphore_mem>>
      %dma_wait3A_186 = tpu.memref_squeeze %dma_wait3A_185 : memref<1x!tpu.dma_semaphore, #tpu.memory_space<semaphore_mem>> -> memref<!tpu.dma_semaphore, #tpu.memory_space<semaphore_mem>>
      tpu.wait_indirect_dma semaphore(%dma_wait3A_186 : memref<!tpu.dma_semaphore, #tpu.memory_space<semaphore_mem>>) src(%dma_wait3A_184 : memref<100000x64xf32, #tpu.memory_space<hbm>>) dst(%dma_wait3A_178 : memref<128x64xf32, #tpu.memory_space<vmem>>)
      %dma_wait3A_187 = arith.constant 0 : i32
      %dma_wait3A_188 = arith.constant 0 : i32
      %dma_wait3A_189 = tpu.memref_slice %arg11[%rem3A_154, %dma_wait3A_187, %dma_wait3A_188] : memref<2x128x64xf32, #tpu.memory_space<vmem>> -> memref<1x128x64xf32, #tpu.memory_space<vmem>>
      %dma_wait3A_190 = tpu.memref_squeeze %dma_wait3A_189 : memref<1x128x64xf32, #tpu.memory_space<vmem>> -> memref<128x64xf32, #tpu.memory_space<vmem>>
      %dma_wait3A_191 = arith.constant 0 : i32
      %dma_wait3A_192 = tpu.memref_slice %arg8[%rem3A_154, %dma_wait3A_191] : memref<2x128xi32, #tpu.memory_space<vmem>> -> memref<1x128xi32, #tpu.memory_space<vmem>>
      %dma_wait3A_193 = tpu.memref_squeeze %dma_wait3A_192 : memref<1x128xi32, #tpu.memory_space<vmem>> -> memref<128xi32, #tpu.memory_space<vmem>>
      %dma_wait3A_194 = arith.constant 0 : i32
      %dma_wait3A_195 = arith.constant 0 : i32
      %dma_wait3A_196 = tpu.memref_slice %arg5[%dma_wait3A_194, %dma_wait3A_195] : memref<100000x64xf32, #tpu.memory_space<hbm>> -> memref<100000x64xf32, #tpu.memory_space<hbm>>
      %dma_wait3A_197 = tpu.memref_slice %arg12[%rem3A_154] : memref<2x!tpu.dma_semaphore, #tpu.memory_space<semaphore_mem>> -> memref<1x!tpu.dma_semaphore, #tpu.memory_space<semaphore_mem>>
      %dma_wait3A_198 = tpu.memref_squeeze %dma_wait3A_197 : memref<1x!tpu.dma_semaphore, #tpu.memory_space<semaphore_mem>> -> memref<!tpu.dma_semaphore, #tpu.memory_space<semaphore_mem>>
      tpu.wait_indirect_dma semaphore(%dma_wait3A_198 : memref<!tpu.dma_semaphore, #tpu.memory_space<semaphore_mem>>) src(%dma_wait3A_196 : memref<100000x64xf32, #tpu.memory_space<hbm>>) dst(%dma_wait3A_190 : memref<128x64xf32, #tpu.memory_space<vmem>>)
      %mul3A_199 = arith.constant 128 : i32
      %mul3A_200 = arith.muli %scan3A_153, %mul3A_199 : i32
      %add3A_201 = arith.addi %mul3A_2, %mul3A_200 : i32
      %dma_start3A_202 = arith.constant 0 : i32
      %dma_start3A_203 = arith.constant 0 : i32
      %dma_start3A_204 = tpu.memref_slice %arg9[%rem3A_154, %dma_start3A_202, %dma_start3A_203] : memref<2x128x64xf32, #tpu.memory_space<vmem>> -> memref<1x128x64xf32, #tpu.memory_space<vmem>>
      %dma_start3A_205 = tpu.memref_squeeze %dma_start3A_204 : memref<1x128x64xf32, #tpu.memory_space<vmem>> -> memref<128x64xf32, #tpu.memory_space<vmem>>
      %dma_start3A_206 = arith.constant 0 : i32
      %dma_start3A_207 = tpu.memref_slice %arg6[%add3A_201, %dma_start3A_206] : memref<106496x128xf32, #tpu.memory_space<hbm>> -> memref<128x64xf32, #tpu.memory_space<hbm>>
      %dma_start3A_208 = tpu.memref_slice %arg13[%rem3A_154] : memref<2x!tpu.dma_semaphore, #tpu.memory_space<semaphore_mem>> -> memref<1x!tpu.dma_semaphore, #tpu.memory_space<semaphore_mem>>
      %dma_start3A_209 = tpu.memref_squeeze %dma_start3A_208 : memref<1x!tpu.dma_semaphore, #tpu.memory_space<semaphore_mem>> -> memref<!tpu.dma_semaphore, #tpu.memory_space<semaphore_mem>>
      %dma_start3A_210 = arith.constant 0 : i32
      %dma_start3A_211 = tpu.memref_slice %arg6[%add3A_201, %dma_start3A_210] : memref<106496x128xf32, #tpu.memory_space<hbm>> -> memref<128x64xf32, #tpu.memory_space<hbm>>
      %dma_start3A_212 = arith.constant 0 : i32
      %dma_start3A_213 = arith.constant 0 : i32
      %dma_start3A_214 = tpu.memref_slice %arg9[%rem3A_154, %dma_start3A_212, %dma_start3A_213] : memref<2x128x64xf32, #tpu.memory_space<vmem>> -> memref<1x128x64xf32, #tpu.memory_space<vmem>>
      %dma_start3A_215 = tpu.memref_squeeze %dma_start3A_214 : memref<1x128x64xf32, #tpu.memory_space<vmem>> -> memref<128x64xf32, #tpu.memory_space<vmem>>
      tpu.enqueue_dma source(%dma_start3A_215 : memref<128x64xf32, #tpu.memory_space<vmem>>) target(%dma_start3A_211 : memref<128x64xf32, #tpu.memory_space<hbm>>) target_semaphore(%dma_start3A_209 : memref<!tpu.dma_semaphore, #tpu.memory_space<semaphore_mem>>)
      %dma_start3A_216 = arith.constant 0 : i32
      %dma_start3A_217 = arith.constant 0 : i32
      %dma_start3A_218 = tpu.memref_slice %arg10[%rem3A_154, %dma_start3A_216, %dma_start3A_217] : memref<2x128x64xf32, #tpu.memory_space<vmem>> -> memref<1x128x64xf32, #tpu.memory_space<vmem>>
      %dma_start3A_219 = tpu.memref_squeeze %dma_start3A_218 : memref<1x128x64xf32, #tpu.memory_space<vmem>> -> memref<128x64xf32, #tpu.memory_space<vmem>>
      %dma_start3A_220 = arith.constant 64 : i32
      %dma_start3A_221 = tpu.memref_slice %arg6[%add3A_201, %dma_start3A_220] : memref<106496x128xf32, #tpu.memory_space<hbm>> -> memref<128x64xf32, #tpu.memory_space<hbm>>
      %dma_start3A_222 = tpu.memref_slice %arg13[%rem3A_154] : memref<2x!tpu.dma_semaphore, #tpu.memory_space<semaphore_mem>> -> memref<1x!tpu.dma_semaphore, #tpu.memory_space<semaphore_mem>>
      %dma_start3A_223 = tpu.memref_squeeze %dma_start3A_222 : memref<1x!tpu.dma_semaphore, #tpu.memory_space<semaphore_mem>> -> memref<!tpu.dma_semaphore, #tpu.memory_space<semaphore_mem>>
      %dma_start3A_224 = arith.constant 64 : i32
      %dma_start3A_225 = tpu.memref_slice %arg6[%add3A_201, %dma_start3A_224] : memref<106496x128xf32, #tpu.memory_space<hbm>> -> memref<128x64xf32, #tpu.memory_space<hbm>>
      %dma_start3A_226 = arith.constant 0 : i32
      %dma_start3A_227 = arith.constant 0 : i32
      %dma_start3A_228 = tpu.memref_slice %arg10[%rem3A_154, %dma_start3A_226, %dma_start3A_227] : memref<2x128x64xf32, #tpu.memory_space<vmem>> -> memref<1x128x64xf32, #tpu.memory_space<vmem>>
      %dma_start3A_229 = tpu.memref_squeeze %dma_start3A_228 : memref<1x128x64xf32, #tpu.memory_space<vmem>> -> memref<128x64xf32, #tpu.memory_space<vmem>>
      tpu.enqueue_dma source(%dma_start3A_229 : memref<128x64xf32, #tpu.memory_space<vmem>>) target(%dma_start3A_225 : memref<128x64xf32, #tpu.memory_space<hbm>>) target_semaphore(%dma_start3A_223 : memref<!tpu.dma_semaphore, #tpu.memory_space<semaphore_mem>>)
      %dma_start3A_230 = arith.constant 0 : i32
      %dma_start3A_231 = arith.constant 0 : i32
      %dma_start3A_232 = tpu.memref_slice %arg11[%rem3A_154, %dma_start3A_230, %dma_start3A_231] : memref<2x128x64xf32, #tpu.memory_space<vmem>> -> memref<1x128x64xf32, #tpu.memory_space<vmem>>
      %dma_start3A_233 = tpu.memref_squeeze %dma_start3A_232 : memref<1x128x64xf32, #tpu.memory_space<vmem>> -> memref<128x64xf32, #tpu.memory_space<vmem>>
      %dma_start3A_234 = arith.constant 0 : i32
      %dma_start3A_235 = tpu.memref_slice %arg7[%add3A_201, %dma_start3A_234] : memref<106496x128xf32, #tpu.memory_space<hbm>> -> memref<128x64xf32, #tpu.memory_space<hbm>>
      %dma_start3A_236 = tpu.memref_slice %arg13[%rem3A_154] : memref<2x!tpu.dma_semaphore, #tpu.memory_space<semaphore_mem>> -> memref<1x!tpu.dma_semaphore, #tpu.memory_space<semaphore_mem>>
      %dma_start3A_237 = tpu.memref_squeeze %dma_start3A_236 : memref<1x!tpu.dma_semaphore, #tpu.memory_space<semaphore_mem>> -> memref<!tpu.dma_semaphore, #tpu.memory_space<semaphore_mem>>
      %dma_start3A_238 = arith.constant 0 : i32
      %dma_start3A_239 = tpu.memref_slice %arg7[%add3A_201, %dma_start3A_238] : memref<106496x128xf32, #tpu.memory_space<hbm>> -> memref<128x64xf32, #tpu.memory_space<hbm>>
      %dma_start3A_240 = arith.constant 0 : i32
      %dma_start3A_241 = arith.constant 0 : i32
      %dma_start3A_242 = tpu.memref_slice %arg11[%rem3A_154, %dma_start3A_240, %dma_start3A_241] : memref<2x128x64xf32, #tpu.memory_space<vmem>> -> memref<1x128x64xf32, #tpu.memory_space<vmem>>
      %dma_start3A_243 = tpu.memref_squeeze %dma_start3A_242 : memref<1x128x64xf32, #tpu.memory_space<vmem>> -> memref<128x64xf32, #tpu.memory_space<vmem>>
      tpu.enqueue_dma source(%dma_start3A_243 : memref<128x64xf32, #tpu.memory_space<vmem>>) target(%dma_start3A_239 : memref<128x64xf32, #tpu.memory_space<hbm>>) target_semaphore(%dma_start3A_237 : memref<!tpu.dma_semaphore, #tpu.memory_space<semaphore_mem>>)
    }
    %scan3A_53 = arith.constant 26 : i32
    %add3A_54 = arith.constant 0 : i32
    %add3A_55 = arith.addi %mul3A_2, %add3A_54 : i32
    %dma_wait3A = arith.constant 0 : i32
    %dma_wait3A_56 = arith.constant 0 : i32
    %dma_wait3A_57 = arith.constant 0 : i32
    %dma_wait3A_58 = arith.constant 0 : i32
    %dma_wait3A_59 = tpu.memref_slice %arg9[%dma_wait3A, %dma_wait3A_57, %dma_wait3A_58] : memref<2x128x64xf32, #tpu.memory_space<vmem>> -> memref<1x128x64xf32, #tpu.memory_space<vmem>>
    %dma_wait3A_60 = tpu.memref_squeeze %dma_wait3A_59 : memref<1x128x64xf32, #tpu.memory_space<vmem>> -> memref<128x64xf32, #tpu.memory_space<vmem>>
    %dma_wait3A_61 = arith.constant 0 : i32
    %dma_wait3A_62 = tpu.memref_slice %arg6[%add3A_55, %dma_wait3A_61] : memref<106496x128xf32, #tpu.memory_space<hbm>> -> memref<128x64xf32, #tpu.memory_space<hbm>>
    %dma_wait3A_63 = tpu.memref_slice %arg13[%dma_wait3A_56] : memref<2x!tpu.dma_semaphore, #tpu.memory_space<semaphore_mem>> -> memref<1x!tpu.dma_semaphore, #tpu.memory_space<semaphore_mem>>
    %dma_wait3A_64 = tpu.memref_squeeze %dma_wait3A_63 : memref<1x!tpu.dma_semaphore, #tpu.memory_space<semaphore_mem>> -> memref<!tpu.dma_semaphore, #tpu.memory_space<semaphore_mem>>
    %dma_wait3A_65 = arith.constant 0 : i32
    %dma_wait3A_66 = tpu.memref_slice %arg6[%add3A_55, %dma_wait3A_65] : memref<106496x128xf32, #tpu.memory_space<hbm>> -> memref<128x64xf32, #tpu.memory_space<hbm>>
    %dma_wait3A_67 = arith.constant 0 : i32
    %dma_wait3A_68 = arith.constant 0 : i32
    %dma_wait3A_69 = tpu.memref_slice %arg9[%dma_wait3A, %dma_wait3A_67, %dma_wait3A_68] : memref<2x128x64xf32, #tpu.memory_space<vmem>> -> memref<1x128x64xf32, #tpu.memory_space<vmem>>
    %dma_wait3A_70 = tpu.memref_squeeze %dma_wait3A_69 : memref<1x128x64xf32, #tpu.memory_space<vmem>> -> memref<128x64xf32, #tpu.memory_space<vmem>>
    tpu.wait_dma2 semaphore(%dma_wait3A_64 : memref<!tpu.dma_semaphore, #tpu.memory_space<semaphore_mem>>) src(%dma_wait3A_70 : memref<128x64xf32, #tpu.memory_space<vmem>>) dst(%dma_wait3A_66 : memref<128x64xf32, #tpu.memory_space<hbm>>)
    %dma_wait3A_71 = arith.constant 0 : i32
    %dma_wait3A_72 = arith.constant 0 : i32
    %dma_wait3A_73 = arith.constant 0 : i32
    %dma_wait3A_74 = arith.constant 0 : i32
    %dma_wait3A_75 = tpu.memref_slice %arg10[%dma_wait3A_71, %dma_wait3A_73, %dma_wait3A_74] : memref<2x128x64xf32, #tpu.memory_space<vmem>> -> memref<1x128x64xf32, #tpu.memory_space<vmem>>
    %dma_wait3A_76 = tpu.memref_squeeze %dma_wait3A_75 : memref<1x128x64xf32, #tpu.memory_space<vmem>> -> memref<128x64xf32, #tpu.memory_space<vmem>>
    %dma_wait3A_77 = arith.constant 64 : i32
    %dma_wait3A_78 = tpu.memref_slice %arg6[%add3A_55, %dma_wait3A_77] : memref<106496x128xf32, #tpu.memory_space<hbm>> -> memref<128x64xf32, #tpu.memory_space<hbm>>
    %dma_wait3A_79 = tpu.memref_slice %arg13[%dma_wait3A_72] : memref<2x!tpu.dma_semaphore, #tpu.memory_space<semaphore_mem>> -> memref<1x!tpu.dma_semaphore, #tpu.memory_space<semaphore_mem>>
    %dma_wait3A_80 = tpu.memref_squeeze %dma_wait3A_79 : memref<1x!tpu.dma_semaphore, #tpu.memory_space<semaphore_mem>> -> memref<!tpu.dma_semaphore, #tpu.memory_space<semaphore_mem>>
    %dma_wait3A_81 = arith.constant 64 : i32
    %dma_wait3A_82 = tpu.memref_slice %arg6[%add3A_55, %dma_wait3A_81] : memref<106496x128xf32, #tpu.memory_space<hbm>> -> memref<128x64xf32, #tpu.memory_space<hbm>>
    %dma_wait3A_83 = arith.constant 0 : i32
    %dma_wait3A_84 = arith.constant 0 : i32
    %dma_wait3A_85 = tpu.memref_slice %arg10[%dma_wait3A_71, %dma_wait3A_83, %dma_wait3A_84] : memref<2x128x64xf32, #tpu.memory_space<vmem>> -> memref<1x128x64xf32, #tpu.memory_space<vmem>>
    %dma_wait3A_86 = tpu.memref_squeeze %dma_wait3A_85 : memref<1x128x64xf32, #tpu.memory_space<vmem>> -> memref<128x64xf32, #tpu.memory_space<vmem>>
    tpu.wait_dma2 semaphore(%dma_wait3A_80 : memref<!tpu.dma_semaphore, #tpu.memory_space<semaphore_mem>>) src(%dma_wait3A_86 : memref<128x64xf32, #tpu.memory_space<vmem>>) dst(%dma_wait3A_82 : memref<128x64xf32, #tpu.memory_space<hbm>>)
    %dma_wait3A_87 = arith.constant 0 : i32
    %dma_wait3A_88 = arith.constant 0 : i32
    %dma_wait3A_89 = arith.constant 0 : i32
    %dma_wait3A_90 = arith.constant 0 : i32
    %dma_wait3A_91 = tpu.memref_slice %arg11[%dma_wait3A_87, %dma_wait3A_89, %dma_wait3A_90] : memref<2x128x64xf32, #tpu.memory_space<vmem>> -> memref<1x128x64xf32, #tpu.memory_space<vmem>>
    %dma_wait3A_92 = tpu.memref_squeeze %dma_wait3A_91 : memref<1x128x64xf32, #tpu.memory_space<vmem>> -> memref<128x64xf32, #tpu.memory_space<vmem>>
    %dma_wait3A_93 = arith.constant 0 : i32
    %dma_wait3A_94 = tpu.memref_slice %arg7[%add3A_55, %dma_wait3A_93] : memref<106496x128xf32, #tpu.memory_space<hbm>> -> memref<128x64xf32, #tpu.memory_space<hbm>>
    %dma_wait3A_95 = tpu.memref_slice %arg13[%dma_wait3A_88] : memref<2x!tpu.dma_semaphore, #tpu.memory_space<semaphore_mem>> -> memref<1x!tpu.dma_semaphore, #tpu.memory_space<semaphore_mem>>
    %dma_wait3A_96 = tpu.memref_squeeze %dma_wait3A_95 : memref<1x!tpu.dma_semaphore, #tpu.memory_space<semaphore_mem>> -> memref<!tpu.dma_semaphore, #tpu.memory_space<semaphore_mem>>
    %dma_wait3A_97 = arith.constant 0 : i32
    %dma_wait3A_98 = tpu.memref_slice %arg7[%add3A_55, %dma_wait3A_97] : memref<106496x128xf32, #tpu.memory_space<hbm>> -> memref<128x64xf32, #tpu.memory_space<hbm>>
    %dma_wait3A_99 = arith.constant 0 : i32
    %dma_wait3A_100 = arith.constant 0 : i32
    %dma_wait3A_101 = tpu.memref_slice %arg11[%dma_wait3A_87, %dma_wait3A_99, %dma_wait3A_100] : memref<2x128x64xf32, #tpu.memory_space<vmem>> -> memref<1x128x64xf32, #tpu.memory_space<vmem>>
    %dma_wait3A_102 = tpu.memref_squeeze %dma_wait3A_101 : memref<1x128x64xf32, #tpu.memory_space<vmem>> -> memref<128x64xf32, #tpu.memory_space<vmem>>
    tpu.wait_dma2 semaphore(%dma_wait3A_96 : memref<!tpu.dma_semaphore, #tpu.memory_space<semaphore_mem>>) src(%dma_wait3A_102 : memref<128x64xf32, #tpu.memory_space<vmem>>) dst(%dma_wait3A_98 : memref<128x64xf32, #tpu.memory_space<hbm>>)
    %add3A_103 = arith.constant 128 : i32
    %add3A_104 = arith.addi %mul3A_2, %add3A_103 : i32
    %dma_wait3A_105 = arith.constant 1 : i32
    %dma_wait3A_106 = arith.constant 1 : i32
    %dma_wait3A_107 = arith.constant 0 : i32
    %dma_wait3A_108 = arith.constant 0 : i32
    %dma_wait3A_109 = tpu.memref_slice %arg9[%dma_wait3A_105, %dma_wait3A_107, %dma_wait3A_108] : memref<2x128x64xf32, #tpu.memory_space<vmem>> -> memref<1x128x64xf32, #tpu.memory_space<vmem>>
    %dma_wait3A_110 = tpu.memref_squeeze %dma_wait3A_109 : memref<1x128x64xf32, #tpu.memory_space<vmem>> -> memref<128x64xf32, #tpu.memory_space<vmem>>
    %dma_wait3A_111 = arith.constant 0 : i32
    %dma_wait3A_112 = tpu.memref_slice %arg6[%add3A_104, %dma_wait3A_111] : memref<106496x128xf32, #tpu.memory_space<hbm>> -> memref<128x64xf32, #tpu.memory_space<hbm>>
    %dma_wait3A_113 = tpu.memref_slice %arg13[%dma_wait3A_106] : memref<2x!tpu.dma_semaphore, #tpu.memory_space<semaphore_mem>> -> memref<1x!tpu.dma_semaphore, #tpu.memory_space<semaphore_mem>>
    %dma_wait3A_114 = tpu.memref_squeeze %dma_wait3A_113 : memref<1x!tpu.dma_semaphore, #tpu.memory_space<semaphore_mem>> -> memref<!tpu.dma_semaphore, #tpu.memory_space<semaphore_mem>>
    %dma_wait3A_115 = arith.constant 0 : i32
    %dma_wait3A_116 = tpu.memref_slice %arg6[%add3A_104, %dma_wait3A_115] : memref<106496x128xf32, #tpu.memory_space<hbm>> -> memref<128x64xf32, #tpu.memory_space<hbm>>
    %dma_wait3A_117 = arith.constant 0 : i32
    %dma_wait3A_118 = arith.constant 0 : i32
    %dma_wait3A_119 = tpu.memref_slice %arg9[%dma_wait3A_105, %dma_wait3A_117, %dma_wait3A_118] : memref<2x128x64xf32, #tpu.memory_space<vmem>> -> memref<1x128x64xf32, #tpu.memory_space<vmem>>
    %dma_wait3A_120 = tpu.memref_squeeze %dma_wait3A_119 : memref<1x128x64xf32, #tpu.memory_space<vmem>> -> memref<128x64xf32, #tpu.memory_space<vmem>>
    tpu.wait_dma2 semaphore(%dma_wait3A_114 : memref<!tpu.dma_semaphore, #tpu.memory_space<semaphore_mem>>) src(%dma_wait3A_120 : memref<128x64xf32, #tpu.memory_space<vmem>>) dst(%dma_wait3A_116 : memref<128x64xf32, #tpu.memory_space<hbm>>)
    %dma_wait3A_121 = arith.constant 1 : i32
    %dma_wait3A_122 = arith.constant 1 : i32
    %dma_wait3A_123 = arith.constant 0 : i32
    %dma_wait3A_124 = arith.constant 0 : i32
    %dma_wait3A_125 = tpu.memref_slice %arg10[%dma_wait3A_121, %dma_wait3A_123, %dma_wait3A_124] : memref<2x128x64xf32, #tpu.memory_space<vmem>> -> memref<1x128x64xf32, #tpu.memory_space<vmem>>
    %dma_wait3A_126 = tpu.memref_squeeze %dma_wait3A_125 : memref<1x128x64xf32, #tpu.memory_space<vmem>> -> memref<128x64xf32, #tpu.memory_space<vmem>>
    %dma_wait3A_127 = arith.constant 64 : i32
    %dma_wait3A_128 = tpu.memref_slice %arg6[%add3A_104, %dma_wait3A_127] : memref<106496x128xf32, #tpu.memory_space<hbm>> -> memref<128x64xf32, #tpu.memory_space<hbm>>
    %dma_wait3A_129 = tpu.memref_slice %arg13[%dma_wait3A_122] : memref<2x!tpu.dma_semaphore, #tpu.memory_space<semaphore_mem>> -> memref<1x!tpu.dma_semaphore, #tpu.memory_space<semaphore_mem>>
    %dma_wait3A_130 = tpu.memref_squeeze %dma_wait3A_129 : memref<1x!tpu.dma_semaphore, #tpu.memory_space<semaphore_mem>> -> memref<!tpu.dma_semaphore, #tpu.memory_space<semaphore_mem>>
    %dma_wait3A_131 = arith.constant 64 : i32
    %dma_wait3A_132 = tpu.memref_slice %arg6[%add3A_104, %dma_wait3A_131] : memref<106496x128xf32, #tpu.memory_space<hbm>> -> memref<128x64xf32, #tpu.memory_space<hbm>>
    %dma_wait3A_133 = arith.constant 0 : i32
    %dma_wait3A_134 = arith.constant 0 : i32
    %dma_wait3A_135 = tpu.memref_slice %arg10[%dma_wait3A_121, %dma_wait3A_133, %dma_wait3A_134] : memref<2x128x64xf32, #tpu.memory_space<vmem>> -> memref<1x128x64xf32, #tpu.memory_space<vmem>>
    %dma_wait3A_136 = tpu.memref_squeeze %dma_wait3A_135 : memref<1x128x64xf32, #tpu.memory_space<vmem>> -> memref<128x64xf32, #tpu.memory_space<vmem>>
    tpu.wait_dma2 semaphore(%dma_wait3A_130 : memref<!tpu.dma_semaphore, #tpu.memory_space<semaphore_mem>>) src(%dma_wait3A_136 : memref<128x64xf32, #tpu.memory_space<vmem>>) dst(%dma_wait3A_132 : memref<128x64xf32, #tpu.memory_space<hbm>>)
    %dma_wait3A_137 = arith.constant 1 : i32
    %dma_wait3A_138 = arith.constant 1 : i32
    %dma_wait3A_139 = arith.constant 0 : i32
    %dma_wait3A_140 = arith.constant 0 : i32
    %dma_wait3A_141 = tpu.memref_slice %arg11[%dma_wait3A_137, %dma_wait3A_139, %dma_wait3A_140] : memref<2x128x64xf32, #tpu.memory_space<vmem>> -> memref<1x128x64xf32, #tpu.memory_space<vmem>>
    %dma_wait3A_142 = tpu.memref_squeeze %dma_wait3A_141 : memref<1x128x64xf32, #tpu.memory_space<vmem>> -> memref<128x64xf32, #tpu.memory_space<vmem>>
    %dma_wait3A_143 = arith.constant 0 : i32
    %dma_wait3A_144 = tpu.memref_slice %arg7[%add3A_104, %dma_wait3A_143] : memref<106496x128xf32, #tpu.memory_space<hbm>> -> memref<128x64xf32, #tpu.memory_space<hbm>>
    %dma_wait3A_145 = tpu.memref_slice %arg13[%dma_wait3A_138] : memref<2x!tpu.dma_semaphore, #tpu.memory_space<semaphore_mem>> -> memref<1x!tpu.dma_semaphore, #tpu.memory_space<semaphore_mem>>
    %dma_wait3A_146 = tpu.memref_squeeze %dma_wait3A_145 : memref<1x!tpu.dma_semaphore, #tpu.memory_space<semaphore_mem>> -> memref<!tpu.dma_semaphore, #tpu.memory_space<semaphore_mem>>
    %dma_wait3A_147 = arith.constant 0 : i32
    %dma_wait3A_148 = tpu.memref_slice %arg7[%add3A_104, %dma_wait3A_147] : memref<106496x128xf32, #tpu.memory_space<hbm>> -> memref<128x64xf32, #tpu.memory_space<hbm>>
    %dma_wait3A_149 = arith.constant 0 : i32
    %dma_wait3A_150 = arith.constant 0 : i32
    %dma_wait3A_151 = tpu.memref_slice %arg11[%dma_wait3A_137, %dma_wait3A_149, %dma_wait3A_150] : memref<2x128x64xf32, #tpu.memory_space<vmem>> -> memref<1x128x64xf32, #tpu.memory_space<vmem>>
    %dma_wait3A_152 = tpu.memref_squeeze %dma_wait3A_151 : memref<1x128x64xf32, #tpu.memory_space<vmem>> -> memref<128x64xf32, #tpu.memory_space<vmem>>
    tpu.wait_dma2 semaphore(%dma_wait3A_146 : memref<!tpu.dma_semaphore, #tpu.memory_space<semaphore_mem>>) src(%dma_wait3A_152 : memref<128x64xf32, #tpu.memory_space<vmem>>) dst(%dma_wait3A_148 : memref<128x64xf32, #tpu.memory_space<hbm>>)
    return
  }
}

module attributes {stable_mosaic.version = 14 : i64} {
  func.func @_tc1_body(%arg0: i32, %arg1: memref<128x8x128xf32, #tpu.memory_space<vmem>>, %arg2: memref<128x8x128xf32, #tpu.memory_space<vmem>>, %arg3: memref<128x8x128xf32, #tpu.memory_space<vmem>>, %arg4: memref<128x8x128xf32, #tpu.memory_space<vmem>>, %arg5: memref<192x512xf32, #tpu.memory_space<vmem>>, %arg6: memref<192x512xf32, #tpu.memory_space<vmem>>, %arg7: memref<1024x512xf32, #tpu.memory_space<vmem>>, %arg8: memref<1x512xf32, #tpu.memory_space<vmem>>, %arg9: memref<1024x512xf32, #tpu.memory_space<vmem>>, %arg10: memref<1024x512xf32, #tpu.memory_space<vmem>>) attributes {dimension_semantics = [#tpu.dimension_semantics<arbitrary>], iteration_bounds = array<i64: 50>, scalar_prefetch = 0 : i64, scratch_operands = 1 : i64, tpu.core_type = #tpu.core_type<tc>, window_params = [{transform_indices = @transform_0, window_bounds = array<i64: 128, 8, 128>}, {transform_indices = @transform_1, window_bounds = array<i64: 128, 8, 128>}, {transform_indices = @transform_2, window_bounds = array<i64: 128, 8, 128>}, {transform_indices = @transform_3, window_bounds = array<i64: 128, 8, 128>}, {transform_indices = @transform_4, window_bounds = array<i64: 192, 512>}, {transform_indices = @transform_5, window_bounds = array<i64: 192, 512>}, {pipeline_mode = #tpu.pipeline_mode<synchronous>, transform_indices = @transform_6, window_bounds = array<i64: 1024, 512>}, {pipeline_mode = #tpu.pipeline_mode<synchronous>, transform_indices = @transform_7, window_bounds = array<i64: 1, 512>}, {pipeline_mode = #tpu.pipeline_mode<synchronous>, transform_indices = @transform_8, window_bounds = array<i64: 1024, 512>}]} {
    %get3A = arith.constant 0 : index
    %get3A_0 = arith.constant 0 : index
    %get3A_1 = arith.constant 0 : index
    %get3A_2 = vector.load %arg1[%get3A, %get3A_0, %get3A_1] : memref<128x8x128xf32, #tpu.memory_space<vmem>>, vector<128x8x128xf32>
    %reshape3A = vector.shape_cast %get3A_2 : vector<128x8x128xf32> to vector<1024x128xf32>
    %get3A_3 = arith.constant 0 : index
    %get3A_4 = arith.constant 0 : index
    %get3A_5 = arith.constant 0 : index
    %get3A_6 = vector.load %arg2[%get3A_3, %get3A_4, %get3A_5] : memref<128x8x128xf32, #tpu.memory_space<vmem>>, vector<128x8x128xf32>
    %reshape3A_7 = vector.shape_cast %get3A_6 : vector<128x8x128xf32> to vector<1024x128xf32>
    %get3A_8 = arith.constant 0 : index
    %get3A_9 = arith.constant 0 : index
    %get3A_10 = arith.constant 0 : index
    %get3A_11 = vector.load %arg3[%get3A_8, %get3A_9, %get3A_10] : memref<128x8x128xf32, #tpu.memory_space<vmem>>, vector<128x8x128xf32>
    %reshape3A_12 = vector.shape_cast %get3A_11 : vector<128x8x128xf32> to vector<1024x128xf32>
    %get3A_13 = arith.constant 0 : index
    %get3A_14 = arith.constant 0 : index
    %get3A_15 = arith.constant 0 : index
    %get3A_16 = vector.load %arg4[%get3A_13, %get3A_14, %get3A_15] : memref<128x8x128xf32, #tpu.memory_space<vmem>>, vector<128x8x128xf32>
    %reshape3A_17 = vector.shape_cast %get3A_16 : vector<128x8x128xf32> to vector<1024x128xf32>
    %get3A_18 = arith.constant 0 : index
    %get3A_19 = arith.constant 0 : index
    %get3A_20 = vector.load %arg5[%get3A_18, %get3A_19] : memref<192x512xf32, #tpu.memory_space<vmem>>, vector<128x512xf32>
    %dot_general3A = arith.constant dense<0.000000e+00> : vector<1024x512xf32>
    %dot_general3A_21 = tpu.matmul %reshape3A, %get3A_20, %dot_general3A {dimension_numbers = #tpu.dot_dimension_numbers<[1], [0], [0], [1], [0, 0, 1, 1], [], []>, transpose_lhs_hint = false} : vector<1024x128xf32>, vector<128x512xf32>, vector<1024x512xf32> -> vector<1024x512xf32>
    %slice3A = vector.extract_strided_slice %reshape3A_7 {offsets = [0, 0], sizes = [1024, 64], strides = [1, 1]} : vector<1024x128xf32> to vector<1024x64xf32>
    %get3A_22 = arith.constant 128 : index
    %get3A_23 = arith.constant 0 : index
    %get3A_24 = vector.load %arg5[%get3A_22, %get3A_23] : memref<192x512xf32, #tpu.memory_space<vmem>>, vector<64x512xf32>
    %dot_general3A_25 = arith.constant dense<0.000000e+00> : vector<1024x512xf32>
    %dot_general3A_26 = tpu.matmul %slice3A, %get3A_24, %dot_general3A_25 {dimension_numbers = #tpu.dot_dimension_numbers<[1], [0], [0], [1], [0, 0, 1, 1], [], []>, transpose_lhs_hint = false} : vector<1024x64xf32>, vector<64x512xf32>, vector<1024x512xf32> -> vector<1024x512xf32>
    %add3A = arith.addf %dot_general3A_21, %dot_general3A_26 : vector<1024x512xf32>
    %get3A_27 = arith.constant 0 : index
    %get3A_28 = arith.constant 0 : index
    %get3A_29 = vector.load %arg6[%get3A_27, %get3A_28] : memref<192x512xf32, #tpu.memory_space<vmem>>, vector<128x512xf32>
    %dot_general3A_30 = arith.constant dense<0.000000e+00> : vector<1024x512xf32>
    %dot_general3A_31 = tpu.matmul %reshape3A_12, %get3A_29, %dot_general3A_30 {dimension_numbers = #tpu.dot_dimension_numbers<[1], [0], [0], [1], [0, 0, 1, 1], [], []>, transpose_lhs_hint = false} : vector<1024x128xf32>, vector<128x512xf32>, vector<1024x512xf32> -> vector<1024x512xf32>
    %add3A_32 = arith.addf %add3A, %dot_general3A_31 : vector<1024x512xf32>
    %slice3A_33 = vector.extract_strided_slice %reshape3A_17 {offsets = [0, 0], sizes = [1024, 64], strides = [1, 1]} : vector<1024x128xf32> to vector<1024x64xf32>
    %get3A_34 = arith.constant 128 : index
    %get3A_35 = arith.constant 0 : index
    %get3A_36 = vector.load %arg6[%get3A_34, %get3A_35] : memref<192x512xf32, #tpu.memory_space<vmem>>, vector<64x512xf32>
    %dot_general3A_37 = arith.constant dense<0.000000e+00> : vector<1024x512xf32>
    %dot_general3A_38 = tpu.matmul %slice3A_33, %get3A_36, %dot_general3A_37 {dimension_numbers = #tpu.dot_dimension_numbers<[1], [0], [0], [1], [0, 0, 1, 1], [], []>, transpose_lhs_hint = false} : vector<1024x64xf32>, vector<64x512xf32>, vector<1024x512xf32> -> vector<1024x512xf32>
    %add3A_39 = arith.addf %add3A_32, %dot_general3A_38 : vector<1024x512xf32>
    %eq3A = arith.constant 0 : i32
    %eq3A_40 = arith.cmpi eq, %arg0, %eq3A : i32
    %convert_element_type3A = arith.extui %eq3A_40 : i1 to i32
    %cond3A = arith.constant 0 : i32
    %cond3A_41 = arith.cmpi ne, %convert_element_type3A, %cond3A : i32
    scf.if %cond3A_41 {
      %get3A_51 = arith.constant 0 : index
      %get3A_52 = arith.constant 0 : index
      %get3A_53 = vector.load %arg7[%get3A_51, %get3A_52] : memref<1024x512xf32, #tpu.memory_space<vmem>>, vector<1024x512xf32>
      %add3A_54 = arith.addf %get3A_53, %add3A_39 : vector<1024x512xf32>
      %swap3A = arith.constant 0 : index
      %swap3A_55 = arith.constant 0 : index
      %swap3A_56 = vector.load %arg10[%swap3A, %swap3A_55] : memref<1024x512xf32, #tpu.memory_space<vmem>>, vector<1024x512xf32>
      tpu.vector_store %arg10[%swap3A, %swap3A_55], %add3A_54 {strides = array<i32>} : memref<1024x512xf32, #tpu.memory_space<vmem>>, vector<1024x512xf32>,
    } else {
    }
    %gt3A = arith.constant 0 : i32
    %gt3A_42 = arith.cmpi sgt, %arg0, %gt3A : i32
    %convert_element_type3A_43 = arith.extui %gt3A_42 : i1 to i32
    %cond3A_44 = arith.constant 0 : i32
    %cond3A_45 = arith.cmpi ne, %convert_element_type3A_43, %cond3A_44 : i32
    scf.if %cond3A_45 {
      %get3A_51 = arith.constant 0 : index
      %get3A_52 = arith.constant 0 : index
      %get3A_53 = vector.load %arg10[%get3A_51, %get3A_52] : memref<1024x512xf32, #tpu.memory_space<vmem>>, vector<1024x512xf32>
      %add3A_54 = arith.addf %get3A_53, %add3A_39 : vector<1024x512xf32>
      %swap3A = arith.constant 0 : index
      %swap3A_55 = arith.constant 0 : index
      %swap3A_56 = vector.load %arg10[%swap3A, %swap3A_55] : memref<1024x512xf32, #tpu.memory_space<vmem>>, vector<1024x512xf32>
      tpu.vector_store %arg10[%swap3A, %swap3A_55], %add3A_54 {strides = array<i32>} : memref<1024x512xf32, #tpu.memory_space<vmem>>, vector<1024x512xf32>,
    } else {
    }
    %eq3A_46 = arith.constant 49 : i32
    %eq3A_47 = arith.cmpi eq, %arg0, %eq3A_46 : i32
    %convert_element_type3A_48 = arith.extui %eq3A_47 : i1 to i32
    %cond3A_49 = arith.constant 0 : i32
    %cond3A_50 = arith.cmpi ne, %convert_element_type3A_48, %cond3A_49 : i32
    scf.if %cond3A_50 {
      %get3A_51 = arith.constant 0 : index
      %get3A_52 = arith.constant 0 : index
      %get3A_53 = vector.load %arg10[%get3A_51, %get3A_52] : memref<1024x512xf32, #tpu.memory_space<vmem>>, vector<1024x512xf32>
      %get3A_54 = arith.constant 0 : index
      %get3A_55 = arith.constant 0 : index
      %get3A_56 = vector.load %arg8[%get3A_54, %get3A_55] : memref<1x512xf32, #tpu.memory_space<vmem>>, vector<1x512xf32>
      %add3A_57 = vector.broadcast %get3A_56 : vector<1x512xf32> to vector<1024x512xf32>
      %add3A_58 = arith.addf %get3A_53, %add3A_57 : vector<1024x512xf32>
      %max3A = arith.constant 0.000000e+00 : f32
      %max3A_59 = vector.broadcast %max3A : f32 to vector<1024x512xf32>
      %max3A_60 = arith.maximumf %add3A_58, %max3A_59 : vector<1024x512xf32>
      %swap3A = arith.constant 0 : index
      %swap3A_61 = arith.constant 0 : index
      %swap3A_62 = vector.load %arg9[%swap3A, %swap3A_61] : memref<1024x512xf32, #tpu.memory_space<vmem>>, vector<1024x512xf32>
      tpu.vector_store %arg9[%swap3A, %swap3A_61], %max3A_60 {strides = array<i32>} : memref<1024x512xf32, #tpu.memory_space<vmem>>, vector<1024x512xf32>,
    } else {
    }
    return
  }
  func.func @transform_0(%arg0: i32) -> (i32, i32, i32) {
    %c0_i32 = arith.constant 0 : i32
    %c0_i32_0 = arith.constant 0 : i32
    %c0_i32_1 = arith.constant 0 : i32
    return %arg0, %c0_i32, %c0_i32_0 : i32, i32, i32
  }
  func.func @transform_1(%arg0: i32) -> (i32, i32, i32) {
    %c0_i32 = arith.constant 0 : i32
    %c0_i32_0 = arith.constant 0 : i32
    %c0_i32_1 = arith.constant 0 : i32
    return %arg0, %c0_i32, %c0_i32_0 : i32, i32, i32
  }
  func.func @transform_2(%arg0: i32) -> (i32, i32, i32) {
    %add3A = arith.constant 50 : i32
    %add3A_0 = arith.addi %add3A, %arg0 : i32
    %c0_i32 = arith.constant 0 : i32
    %c0_i32_1 = arith.constant 0 : i32
    %c0_i32_2 = arith.constant 0 : i32
    return %add3A_0, %c0_i32, %c0_i32_1 : i32, i32, i32
  }
  func.func @transform_3(%arg0: i32) -> (i32, i32, i32) {
    %add3A = arith.constant 50 : i32
    %add3A_0 = arith.addi %add3A, %arg0 : i32
    %c0_i32 = arith.constant 0 : i32
    %c0_i32_1 = arith.constant 0 : i32
    %c0_i32_2 = arith.constant 0 : i32
    return %add3A_0, %c0_i32, %c0_i32_1 : i32, i32, i32
  }
  func.func @transform_4(%arg0: i32) -> (i32, i32) {
    %c0_i32 = arith.constant 0 : i32
    %c0_i32_0 = arith.constant 0 : i32
    return %arg0, %c0_i32 : i32, i32
  }
  func.func @transform_5(%arg0: i32) -> (i32, i32) {
    %add3A = arith.constant 50 : i32
    %add3A_0 = arith.addi %add3A, %arg0 : i32
    %c0_i32 = arith.constant 0 : i32
    %c0_i32_1 = arith.constant 0 : i32
    return %add3A_0, %c0_i32 : i32, i32
  }
  func.func @transform_6(%arg0: i32) -> (i32, i32) {
    %c0_i32 = arith.constant 0 : i32
    %c0_i32_0 = arith.constant 0 : i32
    %c0_i32_1 = arith.constant 0 : i32
    return %c0_i32, %c0_i32_0 : i32, i32
  }
  func.func @transform_7(%arg0: i32) -> (i32, i32) {
    %c0_i32 = arith.constant 0 : i32
    %c0_i32_0 = arith.constant 0 : i32
    %c0_i32_1 = arith.constant 0 : i32
    return %c0_i32, %c0_i32_0 : i32, i32
  }
  func.func @transform_8(%arg0: i32) -> (i32, i32) {
    %c0_i32 = arith.constant 0 : i32
    %c0_i32_0 = arith.constant 0 : i32
    %c0_i32_1 = arith.constant 0 : i32
    return %c0_i32, %c0_i32_0 : i32, i32
  }
}

module attributes {stable_mosaic.version = 14 : i64} {
  func.func @_tcd_body(%arg0: i32, %arg1: i32, %arg2: memref<8x259x512xf32, #tpu.memory_space<vmem>>, %arg3: memref<8x259x512xf32, #tpu.memory_space<vmem>>, %arg4: memref<45100x512xf32, #tpu.memory_space<any>>, %arg5: memref<518x512xf32, #tpu.memory_space<vmem>>, %arg6: memref<1024x512xf32, #tpu.memory_space<vmem>>, %arg7: memref<2x512x512xf32, #tpu.memory_space<vmem>>, %arg8: memref<2x2072x512xf32, #tpu.memory_space<vmem>>, %arg9: memref<2x2080x512xf32, #tpu.memory_space<vmem>>, %arg10: memref<2x!tpu.dma_semaphore, #tpu.memory_space<semaphore_mem>>, %arg11: memref<2x!tpu.dma_semaphore, #tpu.memory_space<semaphore_mem>>) attributes {dimension_semantics = [#tpu.dimension_semantics<arbitrary>, #tpu.dimension_semantics<arbitrary>], iteration_bounds = array<i64: 7, 2>, scalar_prefetch = 0 : i64, scratch_operands = 5 : i64, tpu.core_type = #tpu.core_type<tc>, window_params = [{transform_indices = @transform_0, window_bounds = array<i64: 8, 259, 512>}, {transform_indices = @transform_1, window_bounds = array<i64: 8, 259, 512>}, {}, {pipeline_mode = #tpu.pipeline_mode<synchronous>, transform_indices = @transform_3, window_bounds = array<i64: 518, 512>}, {pipeline_mode = #tpu.pipeline_mode<synchronous>, transform_indices = @transform_4, window_bounds = array<i64: 1024, 512>}]} {
    %eq3A = arith.constant 0 : i32
    %eq3A_0 = arith.cmpi eq, %arg0, %eq3A : i32
    %eq3A_1 = arith.constant 0 : i32
    %eq3A_2 = arith.cmpi eq, %arg1, %eq3A_1 : i32
    %and3A = arith.andi %eq3A_0, %eq3A_2 : i1
    %convert_element_type3A = arith.extui %and3A : i1 to i32
    %cond3A = arith.constant 0 : i32
    %cond3A_3 = arith.cmpi ne, %convert_element_type3A, %cond3A : i32
    scf.if %cond3A_3 {
      %dma_start3A = arith.constant 0 : i32
      %dma_start3A_172 = arith.constant 0 : i32
      %dma_start3A_173 = tpu.memref_slice %arg10[%dma_start3A_172] : memref<2x!tpu.dma_semaphore, #tpu.memory_space<semaphore_mem>> -> memref<1x!tpu.dma_semaphore, #tpu.memory_space<semaphore_mem>>
      %dma_start3A_174 = tpu.memref_squeeze %dma_start3A_173 : memref<1x!tpu.dma_semaphore, #tpu.memory_space<semaphore_mem>> -> memref<!tpu.dma_semaphore, #tpu.memory_space<semaphore_mem>>
      %dma_start3A_175 = arith.constant 0 : i32
      %dma_start3A_176 = arith.constant 0 : i32
      %dma_start3A_177 = tpu.memref_slice %arg8[%dma_start3A, %dma_start3A_175, %dma_start3A_176] : memref<2x2072x512xf32, #tpu.memory_space<vmem>> -> memref<1x2072x512xf32, #tpu.memory_space<vmem>>
      %dma_start3A_178 = tpu.memref_squeeze %dma_start3A_177 : memref<1x2072x512xf32, #tpu.memory_space<vmem>> -> memref<2072x512xf32, #tpu.memory_space<vmem>>
      %dma_start3A_179 = arith.constant 19200 : i32
      %dma_start3A_180 = arith.constant 0 : i32
      %dma_start3A_181 = tpu.memref_slice %arg4[%dma_start3A_179, %dma_start3A_180] : memref<45100x512xf32, #tpu.memory_space<any>> -> memref<2072x512xf32, #tpu.memory_space<any>>
      tpu.enqueue_dma source(%dma_start3A_181 : memref<2072x512xf32, #tpu.memory_space<any>>) target(%dma_start3A_178 : memref<2072x512xf32, #tpu.memory_space<vmem>>) target_semaphore(%dma_start3A_174 : memref<!tpu.dma_semaphore, #tpu.memory_space<semaphore_mem>>)
      %multiple_of3A = arith.constant 32144 : i32
      %multiple_of3A_182 = tpu.assume_multiple %multiple_of3A, 8 : i32
      %dma_start3A_183 = arith.constant 0 : i32
      %dma_start3A_184 = arith.constant 0 : i32
      %dma_start3A_185 = tpu.memref_slice %arg11[%dma_start3A_184] : memref<2x!tpu.dma_semaphore, #tpu.memory_space<semaphore_mem>> -> memref<1x!tpu.dma_semaphore, #tpu.memory_space<semaphore_mem>>
      %dma_start3A_186 = tpu.memref_squeeze %dma_start3A_185 : memref<1x!tpu.dma_semaphore, #tpu.memory_space<semaphore_mem>> -> memref<!tpu.dma_semaphore, #tpu.memory_space<semaphore_mem>>
      %dma_start3A_187 = arith.constant 0 : i32
      %dma_start3A_188 = arith.constant 0 : i32
      %dma_start3A_189 = tpu.memref_slice %arg9[%dma_start3A_183, %dma_start3A_187, %dma_start3A_188] : memref<2x2080x512xf32, #tpu.memory_space<vmem>> -> memref<1x2080x512xf32, #tpu.memory_space<vmem>>
      %dma_start3A_190 = tpu.memref_squeeze %dma_start3A_189 : memref<1x2080x512xf32, #tpu.memory_space<vmem>> -> memref<2080x512xf32, #tpu.memory_space<vmem>>
      %dma_start3A_191 = arith.constant 0 : i32
      %dma_start3A_192 = tpu.memref_slice %arg4[%multiple_of3A_182, %dma_start3A_191] : memref<45100x512xf32, #tpu.memory_space<any>> -> memref<2080x512xf32, #tpu.memory_space<any>>
      tpu.enqueue_dma source(%dma_start3A_192 : memref<2080x512xf32, #tpu.memory_space<any>>) target(%dma_start3A_190 : memref<2080x512xf32, #tpu.memory_space<vmem>>) target_semaphore(%dma_start3A_186 : memref<!tpu.dma_semaphore, #tpu.memory_space<semaphore_mem>>)
    } else {
    }
    %eq3A_4 = arith.constant 1 : i32
    %eq3A_5 = arith.cmpi eq, %arg1, %eq3A_4 : i32
    %add3A = arith.constant 1 : i32
    %add3A_6 = arith.addi %arg0, %add3A : i32
    %lt3A = arith.constant 7 : i32
    %lt3A_7 = arith.cmpi slt, %add3A_6, %lt3A : i32
    %and3A_8 = arith.andi %eq3A_5, %lt3A_7 : i1
    %convert_element_type3A_9 = arith.extui %and3A_8 : i1 to i32
    %cond3A_10 = arith.constant 0 : i32
    %cond3A_11 = arith.cmpi ne, %convert_element_type3A_9, %cond3A_10 : i32
    scf.if %cond3A_11 {
      %add3A_172 = arith.constant 1 : i32
      %add3A_173 = arith.addi %arg0, %add3A_172 : i32
      %add3A_174 = arith.constant 1 : i32
      %add3A_175 = arith.addi %arg0, %add3A_174 : i32
      %jit3A_176 = arith.constant 2 : i32
      %eq3A_177 = arith.constant 0 : i32
      %eq3A_178 = arith.cmpi eq, %jit3A_176, %eq3A_177 : i32
      %jit3A_179 = arith.constant 1 : i32
      %select_n3A_180 = arith.select %eq3A_178, %jit3A_179, %jit3A_176 : i32
      %rem3A_181 = arith.remsi %add3A_175, %select_n3A_180 : i32
      %ne3A_182 = arith.constant 0 : i32
      %ne3A_183 = arith.cmpi ne, %rem3A_181, %ne3A_182 : i32
      %lt3A_184 = arith.constant 0 : i32
      %lt3A_185 = arith.cmpi slt, %rem3A_181, %lt3A_184 : i32
      %lt3A_186 = arith.constant 0 : i32
      %lt3A_187 = arith.cmpi slt, %select_n3A_180, %lt3A_186 : i32
      %ne3A_188 = arith.xori %lt3A_185, %lt3A_187 : i1
      %and3A_189 = arith.andi %ne3A_188, %ne3A_183 : i1
      %add3A_190 = arith.addi %rem3A_181, %select_n3A_180 : i32
      %select_n3A_191 = arith.select %and3A_189, %add3A_190, %rem3A_181 : i32
      %mul3A_192 = arith.constant 2072 : i32
      %mul3A_193 = arith.muli %add3A_173, %mul3A_192 : i32
      %add3A_194 = arith.constant 19200 : i32
      %add3A_195 = arith.addi %add3A_194, %mul3A_193 : i32
      %dma_start3A = tpu.memref_slice %arg10[%select_n3A_191] : memref<2x!tpu.dma_semaphore, #tpu.memory_space<semaphore_mem>> -> memref<1x!tpu.dma_semaphore, #tpu.memory_space<semaphore_mem>>
      %dma_start3A_196 = tpu.memref_squeeze %dma_start3A : memref<1x!tpu.dma_semaphore, #tpu.memory_space<semaphore_mem>> -> memref<!tpu.dma_semaphore, #tpu.memory_space<semaphore_mem>>
      %dma_start3A_197 = arith.constant 0 : i32
      %dma_start3A_198 = arith.constant 0 : i32
      %dma_start3A_199 = tpu.memref_slice %arg8[%select_n3A_191, %dma_start3A_197, %dma_start3A_198] : memref<2x2072x512xf32, #tpu.memory_space<vmem>> -> memref<1x2072x512xf32, #tpu.memory_space<vmem>>
      %dma_start3A_200 = tpu.memref_squeeze %dma_start3A_199 : memref<1x2072x512xf32, #tpu.memory_space<vmem>> -> memref<2072x512xf32, #tpu.memory_space<vmem>>
      %dma_start3A_201 = arith.constant 0 : i32
      %dma_start3A_202 = tpu.memref_slice %arg4[%add3A_195, %dma_start3A_201] : memref<45100x512xf32, #tpu.memory_space<any>> -> memref<2072x512xf32, #tpu.memory_space<any>>
      tpu.enqueue_dma source(%dma_start3A_202 : memref<2072x512xf32, #tpu.memory_space<any>>) target(%dma_start3A_200 : memref<2072x512xf32, #tpu.memory_space<vmem>>) target_semaphore(%dma_start3A_196 : memref<!tpu.dma_semaphore, #tpu.memory_space<semaphore_mem>>)
      %lt3A_203 = arith.constant 6 : i32
      %lt3A_204 = arith.cmpi slt, %add3A_173, %lt3A_203 : i32
      %convert_element_type3A_205 = arith.extui %lt3A_204 : i1 to i32
      %cond3A_206 = arith.constant 0 : i32
      %cond3A_207 = arith.cmpi ne, %convert_element_type3A_205, %cond3A_206 : i32
      scf.if %cond3A_207 {
        %mul3A_208 = arith.constant 2072 : i32
        %mul3A_209 = arith.muli %add3A_173, %mul3A_208 : i32
        %add3A_210 = arith.constant 32150 : i32
        %add3A_211 = arith.addi %add3A_210, %mul3A_209 : i32
        %jit3A_212 = arith.constant 8 : i32
        %div3A = arith.divsi %add3A_211, %jit3A_212 : i32
        %sign3A = arith.constant 0 : i32
        %sign3A_213 = arith.cmpi sgt, %add3A_211, %sign3A : i32
        %sign3A_214 = arith.extui %sign3A_213 : i1 to i32
        %sign3A_215 = arith.constant 0 : i32
        %sign3A_216 = arith.cmpi slt, %add3A_211, %sign3A_215 : i32
        %sign3A_217 = arith.extui %sign3A_216 : i1 to i32
        %sign3A_218 = arith.subi %sign3A_214, %sign3A_217 : i32
        %sign3A_219 = arith.constant 0 : i32
        %sign3A_220 = arith.cmpi sgt, %jit3A_212, %sign3A_219 : i32
        %sign3A_221 = arith.extui %sign3A_220 : i1 to i32
        %sign3A_222 = arith.constant 0 : i32
        %sign3A_223 = arith.cmpi slt, %jit3A_212, %sign3A_222 : i32
        %sign3A_224 = arith.extui %sign3A_223 : i1 to i32
        %sign3A_225 = arith.subi %sign3A_221, %sign3A_224 : i32
        %ne3A_226 = arith.cmpi ne, %sign3A_218, %sign3A_225 : i32
        %rem3A_227 = arith.remsi %add3A_211, %jit3A_212 : i32
        %ne3A_228 = arith.constant 0 : i32
        %ne3A_229 = arith.cmpi ne, %rem3A_227, %ne3A_228 : i32
        %and3A_230 = arith.andi %ne3A_226, %ne3A_229 : i1
        %sub3A = arith.constant 1 : i32
        %sub3A_231 = arith.subi %div3A, %sub3A : i32
        %select_n3A_232 = arith.select %and3A_230, %sub3A_231, %div3A : i32
        %mul3A_233 = arith.constant 8 : i32
        %mul3A_234 = arith.muli %select_n3A_232, %mul3A_233 : i32
        %multiple_of3A = tpu.assume_multiple %mul3A_234, 8 : i32
        %dma_start3A_235 = tpu.memref_slice %arg11[%select_n3A_191] : memref<2x!tpu.dma_semaphore, #tpu.memory_space<semaphore_mem>> -> memref<1x!tpu.dma_semaphore, #tpu.memory_space<semaphore_mem>>
        %dma_start3A_236 = tpu.memref_squeeze %dma_start3A_235 : memref<1x!tpu.dma_semaphore, #tpu.memory_space<semaphore_mem>> -> memref<!tpu.dma_semaphore, #tpu.memory_space<semaphore_mem>>
        %dma_start3A_237 = arith.constant 0 : i32
        %dma_start3A_238 = arith.constant 0 : i32
        %dma_start3A_239 = tpu.memref_slice %arg9[%select_n3A_191, %dma_start3A_237, %dma_start3A_238] : memref<2x2080x512xf32, #tpu.memory_space<vmem>> -> memref<1x2080x512xf32, #tpu.memory_space<vmem>>
        %dma_start3A_240 = tpu.memref_squeeze %dma_start3A_239 : memref<1x2080x512xf32, #tpu.memory_space<vmem>> -> memref<2080x512xf32, #tpu.memory_space<vmem>>
        %dma_start3A_241 = arith.constant 0 : i32
        %dma_start3A_242 = tpu.memref_slice %arg4[%multiple_of3A, %dma_start3A_241] : memref<45100x512xf32, #tpu.memory_space<any>> -> memref<2080x512xf32, #tpu.memory_space<any>>
        tpu.enqueue_dma source(%dma_start3A_242 : memref<2080x512xf32, #tpu.memory_space<any>>) target(%dma_start3A_240 : memref<2080x512xf32, #tpu.memory_space<vmem>>) target_semaphore(%dma_start3A_236 : memref<!tpu.dma_semaphore, #tpu.memory_space<semaphore_mem>>)
      } else {
      }
    } else {
    }
    %jit3A = arith.constant 2 : i32
    %eq3A_12 = arith.constant 0 : i32
    %eq3A_13 = arith.cmpi eq, %jit3A, %eq3A_12 : i32
    %jit3A_14 = arith.constant 1 : i32
    %select_n3A = arith.select %eq3A_13, %jit3A_14, %jit3A : i32
    %rem3A = arith.remsi %arg0, %select_n3A : i32
    %ne3A = arith.constant 0 : i32
    %ne3A_15 = arith.cmpi ne, %rem3A, %ne3A : i32
    %lt3A_16 = arith.constant 0 : i32
    %lt3A_17 = arith.cmpi slt, %rem3A, %lt3A_16 : i32
    %lt3A_18 = arith.constant 0 : i32
    %lt3A_19 = arith.cmpi slt, %select_n3A, %lt3A_18 : i32
    %ne3A_20 = arith.xori %lt3A_17, %lt3A_19 : i1
    %and3A_21 = arith.andi %ne3A_20, %ne3A_15 : i1
    %add3A_22 = arith.addi %rem3A, %select_n3A : i32
    %select_n3A_23 = arith.select %and3A_21, %add3A_22, %rem3A : i32
    %eq3A_24 = arith.constant 0 : i32
    %eq3A_25 = arith.cmpi eq, %arg1, %eq3A_24 : i32
    %convert_element_type3A_26 = arith.extui %eq3A_25 : i1 to i32
    %cond3A_27 = arith.constant 0 : i32
    %cond3A_28 = arith.cmpi ne, %convert_element_type3A_26, %cond3A_27 : i32
    scf.if %cond3A_28 {
      %mul3A_172 = arith.constant 2072 : i32
      %mul3A_173 = arith.muli %arg0, %mul3A_172 : i32
      %add3A_174 = arith.constant 19200 : i32
      %add3A_175 = arith.addi %add3A_174, %mul3A_173 : i32
      %dma_wait3A = tpu.memref_slice %arg10[%select_n3A_23] : memref<2x!tpu.dma_semaphore, #tpu.memory_space<semaphore_mem>> -> memref<1x!tpu.dma_semaphore, #tpu.memory_space<semaphore_mem>>
      %dma_wait3A_176 = tpu.memref_squeeze %dma_wait3A : memref<1x!tpu.dma_semaphore, #tpu.memory_space<semaphore_mem>> -> memref<!tpu.dma_semaphore, #tpu.memory_space<semaphore_mem>>
      %dma_wait3A_177 = arith.constant 0 : i32
      %dma_wait3A_178 = arith.constant 0 : i32
      %dma_wait3A_179 = tpu.memref_slice %arg8[%select_n3A_23, %dma_wait3A_177, %dma_wait3A_178] : memref<2x2072x512xf32, #tpu.memory_space<vmem>> -> memref<1x2072x512xf32, #tpu.memory_space<vmem>>
      %dma_wait3A_180 = tpu.memref_squeeze %dma_wait3A_179 : memref<1x2072x512xf32, #tpu.memory_space<vmem>> -> memref<2072x512xf32, #tpu.memory_space<vmem>>
      %dma_wait3A_181 = arith.constant 0 : i32
      %dma_wait3A_182 = tpu.memref_slice %arg4[%add3A_175, %dma_wait3A_181] : memref<45100x512xf32, #tpu.memory_space<any>> -> memref<2072x512xf32, #tpu.memory_space<any>>
      tpu.wait_dma2 semaphore(%dma_wait3A_176 : memref<!tpu.dma_semaphore, #tpu.memory_space<semaphore_mem>>) src(%dma_wait3A_182 : memref<2072x512xf32, #tpu.memory_space<any>>) dst(%dma_wait3A_180 : memref<2072x512xf32, #tpu.memory_space<vmem>>)
      %lt3A_183 = arith.constant 6 : i32
      %lt3A_184 = arith.cmpi slt, %arg0, %lt3A_183 : i32
      %convert_element_type3A_185 = arith.extui %lt3A_184 : i1 to i32
      %cond3A_186 = arith.constant 0 : i32
      %cond3A_187 = arith.cmpi ne, %convert_element_type3A_185, %cond3A_186 : i32
      scf.if %cond3A_187 {
        %mul3A_188 = arith.constant 2072 : i32
        %mul3A_189 = arith.muli %arg0, %mul3A_188 : i32
        %add3A_190 = arith.constant 32150 : i32
        %add3A_191 = arith.addi %add3A_190, %mul3A_189 : i32
        %jit3A_192 = arith.constant 8 : i32
        %div3A = arith.divsi %add3A_191, %jit3A_192 : i32
        %sign3A = arith.constant 0 : i32
        %sign3A_193 = arith.cmpi sgt, %add3A_191, %sign3A : i32
        %sign3A_194 = arith.extui %sign3A_193 : i1 to i32
        %sign3A_195 = arith.constant 0 : i32
        %sign3A_196 = arith.cmpi slt, %add3A_191, %sign3A_195 : i32
        %sign3A_197 = arith.extui %sign3A_196 : i1 to i32
        %sign3A_198 = arith.subi %sign3A_194, %sign3A_197 : i32
        %sign3A_199 = arith.constant 0 : i32
        %sign3A_200 = arith.cmpi sgt, %jit3A_192, %sign3A_199 : i32
        %sign3A_201 = arith.extui %sign3A_200 : i1 to i32
        %sign3A_202 = arith.constant 0 : i32
        %sign3A_203 = arith.cmpi slt, %jit3A_192, %sign3A_202 : i32
        %sign3A_204 = arith.extui %sign3A_203 : i1 to i32
        %sign3A_205 = arith.subi %sign3A_201, %sign3A_204 : i32
        %ne3A_206 = arith.cmpi ne, %sign3A_198, %sign3A_205 : i32
        %rem3A_207 = arith.remsi %add3A_191, %jit3A_192 : i32
        %ne3A_208 = arith.constant 0 : i32
        %ne3A_209 = arith.cmpi ne, %rem3A_207, %ne3A_208 : i32
        %and3A_210 = arith.andi %ne3A_206, %ne3A_209 : i1
        %sub3A = arith.constant 1 : i32
        %sub3A_211 = arith.subi %div3A, %sub3A : i32
        %select_n3A_212 = arith.select %and3A_210, %sub3A_211, %div3A : i32
        %mul3A_213 = arith.constant 8 : i32
        %mul3A_214 = arith.muli %select_n3A_212, %mul3A_213 : i32
        %multiple_of3A = tpu.assume_multiple %mul3A_214, 8 : i32
        %dma_wait3A_215 = tpu.memref_slice %arg11[%select_n3A_23] : memref<2x!tpu.dma_semaphore, #tpu.memory_space<semaphore_mem>> -> memref<1x!tpu.dma_semaphore, #tpu.memory_space<semaphore_mem>>
        %dma_wait3A_216 = tpu.memref_squeeze %dma_wait3A_215 : memref<1x!tpu.dma_semaphore, #tpu.memory_space<semaphore_mem>> -> memref<!tpu.dma_semaphore, #tpu.memory_space<semaphore_mem>>
        %dma_wait3A_217 = arith.constant 0 : i32
        %dma_wait3A_218 = arith.constant 0 : i32
        %dma_wait3A_219 = tpu.memref_slice %arg9[%select_n3A_23, %dma_wait3A_217, %dma_wait3A_218] : memref<2x2080x512xf32, #tpu.memory_space<vmem>> -> memref<1x2080x512xf32, #tpu.memory_space<vmem>>
        %dma_wait3A_220 = tpu.memref_squeeze %dma_wait3A_219 : memref<1x2080x512xf32, #tpu.memory_space<vmem>> -> memref<2080x512xf32, #tpu.memory_space<vmem>>
        %dma_wait3A_221 = arith.constant 0 : i32
        %dma_wait3A_222 = tpu.memref_slice %arg4[%multiple_of3A, %dma_wait3A_221] : memref<45100x512xf32, #tpu.memory_space<any>> -> memref<2080x512xf32, #tpu.memory_space<any>>
        tpu.wait_dma2 semaphore(%dma_wait3A_216 : memref<!tpu.dma_semaphore, #tpu.memory_space<semaphore_mem>>) src(%dma_wait3A_222 : memref<2080x512xf32, #tpu.memory_space<any>>) dst(%dma_wait3A_220 : memref<2080x512xf32, #tpu.memory_space<vmem>>)
      } else {
      }
    } else {
    }
    %eq3A_29 = arith.constant 0 : i32
    %eq3A_30 = arith.cmpi eq, %arg0, %eq3A_29 : i32
    %convert_element_type3A_31 = arith.extui %eq3A_30 : i1 to i32
    %cond3A_32 = arith.constant 0 : i32
    %cond3A_33 = arith.cmpi ne, %convert_element_type3A_31, %cond3A_32 : i32
    scf.if %cond3A_33 {
      %broadcast_in_dim3A = arith.constant 0.000000e+00 : f32
      %broadcast_in_dim3A_172 = vector.broadcast %broadcast_in_dim3A : f32 to vector<512x512xf32>
      %swap3A = arith.index_cast %arg1 : i32 to index
      %swap3A_173 = arith.constant 0 : index
      %swap3A_174 = arith.constant 0 : index
      %swap3A_175 = vector.load %arg7[%swap3A, %swap3A_173, %swap3A_174] : memref<2x512x512xf32, #tpu.memory_space<vmem>>, vector<1x512x512xf32>
      %swap3A_176 = vector.shape_cast %swap3A_175 : vector<1x512x512xf32> to vector<512x512xf32>
      %swap3A_177 = vector.shape_cast %broadcast_in_dim3A_172 : vector<512x512xf32> to vector<1x512x512xf32>
      tpu.vector_store %arg7[%swap3A, %swap3A_173, %swap3A_174], %swap3A_177 {strides = array<i32>} : memref<2x512x512xf32, #tpu.memory_space<vmem>>, vector<1x512x512xf32>,
    } else {
    }
    %get3A = arith.constant 0 : index
    %get3A_34 = arith.constant 0 : index
    %get3A_35 = arith.constant 0 : index
    %get3A_36 = vector.load %arg2[%get3A, %get3A_34, %get3A_35] : memref<8x259x512xf32, #tpu.memory_space<vmem>>, vector<8x259x512xf32>
    %get3A_37 = arith.constant 0 : index
    %get3A_38 = arith.constant 0 : index
    %get3A_39 = arith.constant 0 : index
    %get3A_40 = vector.load %arg3[%get3A_37, %get3A_38, %get3A_39] : memref<8x259x512xf32, #tpu.memory_space<vmem>>, vector<8x259x512xf32>
    %get3A_41 = arith.index_cast %select_n3A_23 : i32 to index
    %get3A_42 = arith.constant 0 : index
    %get3A_43 = arith.constant 0 : index
    %get3A_44 = vector.load %arg8[%get3A_41, %get3A_42, %get3A_43] : memref<2x2072x512xf32, #tpu.memory_space<vmem>>, vector<1x2072x512xf32>
    %get3A_45 = vector.shape_cast %get3A_44 : vector<1x2072x512xf32> to vector<2072x512xf32>
    %get3A_46 = arith.index_cast %select_n3A_23 : i32 to index
    %get3A_47 = arith.constant 0 : index
    %get3A_48 = arith.constant 0 : index
    %get3A_49 = vector.load %arg9[%get3A_46, %get3A_47, %get3A_48] : memref<2x2080x512xf32, #tpu.memory_space<vmem>>, vector<1x2080x512xf32>
    %get3A_50 = vector.shape_cast %get3A_49 : vector<1x2080x512xf32> to vector<2080x512xf32>
    %mul3A = arith.constant 8 : i32
    %mul3A_51 = arith.muli %arg0, %mul3A : i32
    %add3A_52 = arith.constant 0 : i32
    %add3A_53 = arith.addi %mul3A_51, %add3A_52 : i32
    %lt3A_54 = arith.constant 50 : i32
    %lt3A_55 = arith.cmpi slt, %add3A_53, %lt3A_54 : i32
    %lt3A_56 = arith.constant 6 : i32
    %lt3A_57 = arith.cmpi slt, %arg0, %lt3A_56 : i32
    %and3A_58 = arith.andi %lt3A_55, %lt3A_57 : i1
    %convert_element_type3A_59 = arith.extui %and3A_58 : i1 to i32
    %cond3A_60 = arith.constant 0 : i32
    %cond3A_61 = arith.cmpi ne, %convert_element_type3A_59, %cond3A_60 : i32
    scf.if %cond3A_61 {
      %get3A_172 = arith.index_cast %arg1 : i32 to index
      %get3A_173 = arith.constant 0 : index
      %get3A_174 = arith.constant 0 : index
      %get3A_175 = vector.load %arg7[%get3A_172, %get3A_173, %get3A_174] : memref<2x512x512xf32, #tpu.memory_space<vmem>>, vector<1x512x512xf32>
      %get3A_176 = vector.shape_cast %get3A_175 : vector<1x512x512xf32> to vector<512x512xf32>
      %slice3A = vector.extract_strided_slice %get3A_36 {offsets = [0, 0, 0], sizes = [1, 259, 512], strides = [1, 1, 1]} : vector<8x259x512xf32> to vector<1x259x512xf32>
      %squeeze3A = vector.shape_cast %slice3A : vector<1x259x512xf32> to vector<259x512xf32>
      %slice3A_177 = vector.extract_strided_slice %get3A_45 {offsets = [0, 0], sizes = [259, 512], strides = [1, 1]} : vector<2072x512xf32> to vector<259x512xf32>
      %dot_general3A = arith.constant dense<0.000000e+00> : vector<512x512xf32>
      %dot_general3A_178 = tpu.matmul %squeeze3A, %slice3A_177, %dot_general3A {dimension_numbers = #tpu.dot_dimension_numbers<[0], [0], [1], [1], [0, 1, 1, 1], [], []>, transpose_lhs_hint = false} : vector<259x512xf32>, vector<259x512xf32>, vector<512x512xf32> -> vector<512x512xf32>
      %add3A_179 = arith.addf %get3A_176, %dot_general3A_178 : vector<512x512xf32>
      %swap3A = arith.index_cast %arg1 : i32 to index
      %swap3A_180 = arith.constant 0 : index
      %swap3A_181 = arith.constant 0 : index
      %swap3A_182 = vector.load %arg7[%swap3A, %swap3A_180, %swap3A_181] : memref<2x512x512xf32, #tpu.memory_space<vmem>>, vector<1x512x512xf32>
      %swap3A_183 = vector.shape_cast %swap3A_182 : vector<1x512x512xf32> to vector<512x512xf32>
      %swap3A_184 = vector.shape_cast %add3A_179 : vector<512x512xf32> to vector<1x512x512xf32>
      tpu.vector_store %arg7[%swap3A, %swap3A_180, %swap3A_181], %swap3A_184 {strides = array<i32>} : memref<2x512x512xf32, #tpu.memory_space<vmem>>, vector<1x512x512xf32>,
      %get3A_185 = arith.index_cast %arg1 : i32 to index
      %get3A_186 = arith.constant 0 : index
      %get3A_187 = arith.constant 0 : index
      %get3A_188 = vector.load %arg7[%get3A_185, %get3A_186, %get3A_187] : memref<2x512x512xf32, #tpu.memory_space<vmem>>, vector<1x512x512xf32>
      %get3A_189 = vector.shape_cast %get3A_188 : vector<1x512x512xf32> to vector<512x512xf32>
      %slice3A_190 = vector.extract_strided_slice %get3A_40 {offsets = [0, 0, 0], sizes = [1, 259, 512], strides = [1, 1, 1]} : vector<8x259x512xf32> to vector<1x259x512xf32>
      %squeeze3A_191 = vector.shape_cast %slice3A_190 : vector<1x259x512xf32> to vector<259x512xf32>
      %slice3A_192 = vector.extract_strided_slice %get3A_50 {offsets = [6, 0], sizes = [259, 512], strides = [1, 1]} : vector<2080x512xf32> to vector<259x512xf32>
      %dot_general3A_193 = arith.constant dense<0.000000e+00> : vector<512x512xf32>
      %dot_general3A_194 = tpu.matmul %squeeze3A_191, %slice3A_192, %dot_general3A_193 {dimension_numbers = #tpu.dot_dimension_numbers<[0], [0], [1], [1], [0, 1, 1, 1], [], []>, transpose_lhs_hint = false} : vector<259x512xf32>, vector<259x512xf32>, vector<512x512xf32> -> vector<512x512xf32>
      %add3A_195 = arith.addf %get3A_189, %dot_general3A_194 : vector<512x512xf32>
      %swap3A_196 = arith.index_cast %arg1 : i32 to index
      %swap3A_197 = arith.constant 0 : index
      %swap3A_198 = arith.constant 0 : index
      %swap3A_199 = vector.load %arg7[%swap3A_196, %swap3A_197, %swap3A_198] : memref<2x512x512xf32, #tpu.memory_space<vmem>>, vector<1x512x512xf32>
      %swap3A_200 = vector.shape_cast %swap3A_199 : vector<1x512x512xf32> to vector<512x512xf32>
      %swap3A_201 = vector.shape_cast %add3A_195 : vector<512x512xf32> to vector<1x512x512xf32>
      tpu.vector_store %arg7[%swap3A_196, %swap3A_197, %swap3A_198], %swap3A_201 {strides = array<i32>} : memref<2x512x512xf32, #tpu.memory_space<vmem>>, vector<1x512x512xf32>,
    } else {
    }
    %eq3A_62 = arith.constant 6 : i32
    %eq3A_63 = arith.cmpi eq, %arg0, %eq3A_62 : i32
    %convert_element_type3A_64 = arith.extui %eq3A_63 : i1 to i32
    %cond3A_65 = arith.constant 0 : i32
    %cond3A_66 = arith.cmpi ne, %convert_element_type3A_64, %cond3A_65 : i32
    scf.if %cond3A_66 {
      %get3A_172 = arith.index_cast %arg1 : i32 to index
      %get3A_173 = arith.constant 0 : index
      %get3A_174 = arith.constant 0 : index
      %get3A_175 = vector.load %arg7[%get3A_172, %get3A_173, %get3A_174] : memref<2x512x512xf32, #tpu.memory_space<vmem>>, vector<1x512x512xf32>
      %get3A_176 = vector.shape_cast %get3A_175 : vector<1x512x512xf32> to vector<512x512xf32>
      %slice3A = vector.extract_strided_slice %get3A_36 {offsets = [0, 0, 0], sizes = [1, 259, 512], strides = [1, 1, 1]} : vector<8x259x512xf32> to vector<1x259x512xf32>
      %squeeze3A = vector.shape_cast %slice3A : vector<1x259x512xf32> to vector<259x512xf32>
      %slice3A_177 = vector.extract_strided_slice %get3A_45 {offsets = [0, 0], sizes = [259, 512], strides = [1, 1]} : vector<2072x512xf32> to vector<259x512xf32>
      %dot_general3A = arith.constant dense<0.000000e+00> : vector<512x512xf32>
      %dot_general3A_178 = tpu.matmul %squeeze3A, %slice3A_177, %dot_general3A {dimension_numbers = #tpu.dot_dimension_numbers<[0], [0], [1], [1], [0, 1, 1, 1], [], []>, transpose_lhs_hint = false} : vector<259x512xf32>, vector<259x512xf32>, vector<512x512xf32> -> vector<512x512xf32>
      %add3A_179 = arith.addf %get3A_176, %dot_general3A_178 : vector<512x512xf32>
      %swap3A = arith.index_cast %arg1 : i32 to index
      %swap3A_180 = arith.constant 0 : index
      %swap3A_181 = arith.constant 0 : index
      %swap3A_182 = vector.load %arg7[%swap3A, %swap3A_180, %swap3A_181] : memref<2x512x512xf32, #tpu.memory_space<vmem>>, vector<1x512x512xf32>
      %swap3A_183 = vector.shape_cast %swap3A_182 : vector<1x512x512xf32> to vector<512x512xf32>
      %swap3A_184 = vector.shape_cast %add3A_179 : vector<512x512xf32> to vector<1x512x512xf32>
      tpu.vector_store %arg7[%swap3A, %swap3A_180, %swap3A_181], %swap3A_184 {strides = array<i32>} : memref<2x512x512xf32, #tpu.memory_space<vmem>>, vector<1x512x512xf32>,
      %get3A_185 = arith.index_cast %arg1 : i32 to index
      %get3A_186 = arith.constant 0 : index
      %get3A_187 = arith.constant 0 : index
      %get3A_188 = vector.load %arg7[%get3A_185, %get3A_186, %get3A_187] : memref<2x512x512xf32, #tpu.memory_space<vmem>>, vector<1x512x512xf32>
      %get3A_189 = vector.shape_cast %get3A_188 : vector<1x512x512xf32> to vector<512x512xf32>
      %slice3A_190 = vector.extract_strided_slice %get3A_40 {offsets = [0, 0, 0], sizes = [1, 259, 512], strides = [1, 1, 1]} : vector<8x259x512xf32> to vector<1x259x512xf32>
      %squeeze3A_191 = vector.shape_cast %slice3A_190 : vector<1x259x512xf32> to vector<259x512xf32>
      %get3A_192 = arith.constant 0 : index
      %get3A_193 = arith.constant 0 : index
      %get3A_194 = vector.load %arg5[%get3A_192, %get3A_193] : memref<518x512xf32, #tpu.memory_space<vmem>>, vector<259x512xf32>
      %dot_general3A_195 = arith.constant dense<0.000000e+00> : vector<512x512xf32>
      %dot_general3A_196 = tpu.matmul %squeeze3A_191, %get3A_194, %dot_general3A_195 {dimension_numbers = #tpu.dot_dimension_numbers<[0], [0], [1], [1], [0, 1, 1, 1], [], []>, transpose_lhs_hint = false} : vector<259x512xf32>, vector<259x512xf32>, vector<512x512xf32> -> vector<512x512xf32>
      %add3A_197 = arith.addf %get3A_189, %dot_general3A_196 : vector<512x512xf32>
      %swap3A_198 = arith.index_cast %arg1 : i32 to index
      %swap3A_199 = arith.constant 0 : index
      %swap3A_200 = arith.constant 0 : index
      %swap3A_201 = vector.load %arg7[%swap3A_198, %swap3A_199, %swap3A_200] : memref<2x512x512xf32, #tpu.memory_space<vmem>>, vector<1x512x512xf32>
      %swap3A_202 = vector.shape_cast %swap3A_201 : vector<1x512x512xf32> to vector<512x512xf32>
      %swap3A_203 = vector.shape_cast %add3A_197 : vector<512x512xf32> to vector<1x512x512xf32>
      tpu.vector_store %arg7[%swap3A_198, %swap3A_199, %swap3A_200], %swap3A_203 {strides = array<i32>} : memref<2x512x512xf32, #tpu.memory_space<vmem>>, vector<1x512x512xf32>,
    } else {
    }
    %mul3A_67 = arith.constant 8 : i32
    %mul3A_68 = arith.muli %arg0, %mul3A_67 : i32
    %add3A_69 = arith.constant 1 : i32
    %add3A_70 = arith.addi %mul3A_68, %add3A_69 : i32
    %lt3A_71 = arith.constant 50 : i32
    %lt3A_72 = arith.cmpi slt, %add3A_70, %lt3A_71 : i32
    %lt3A_73 = arith.constant 6 : i32
    %lt3A_74 = arith.cmpi slt, %arg0, %lt3A_73 : i32
    %and3A_75 = arith.andi %lt3A_72, %lt3A_74 : i1
    %convert_element_type3A_76 = arith.extui %and3A_75 : i1 to i32
    %cond3A_77 = arith.constant 0 : i32
    %cond3A_78 = arith.cmpi ne, %convert_element_type3A_76, %cond3A_77 : i32
    scf.if %cond3A_78 {
      %get3A_172 = arith.index_cast %arg1 : i32 to index
      %get3A_173 = arith.constant 0 : index
      %get3A_174 = arith.constant 0 : index
      %get3A_175 = vector.load %arg7[%get3A_172, %get3A_173, %get3A_174] : memref<2x512x512xf32, #tpu.memory_space<vmem>>, vector<1x512x512xf32>
      %get3A_176 = vector.shape_cast %get3A_175 : vector<1x512x512xf32> to vector<512x512xf32>
      %slice3A = vector.extract_strided_slice %get3A_36 {offsets = [1, 0, 0], sizes = [1, 259, 512], strides = [1, 1, 1]} : vector<8x259x512xf32> to vector<1x259x512xf32>
      %squeeze3A = vector.shape_cast %slice3A : vector<1x259x512xf32> to vector<259x512xf32>
      %slice3A_177 = vector.extract_strided_slice %get3A_45 {offsets = [259, 0], sizes = [259, 512], strides = [1, 1]} : vector<2072x512xf32> to vector<259x512xf32>
      %dot_general3A = arith.constant dense<0.000000e+00> : vector<512x512xf32>
      %dot_general3A_178 = tpu.matmul %squeeze3A, %slice3A_177, %dot_general3A {dimension_numbers = #tpu.dot_dimension_numbers<[0], [0], [1], [1], [0, 1, 1, 1], [], []>, transpose_lhs_hint = false} : vector<259x512xf32>, vector<259x512xf32>, vector<512x512xf32> -> vector<512x512xf32>
      %add3A_179 = arith.addf %get3A_176, %dot_general3A_178 : vector<512x512xf32>
      %swap3A = arith.index_cast %arg1 : i32 to index
      %swap3A_180 = arith.constant 0 : index
      %swap3A_181 = arith.constant 0 : index
      %swap3A_182 = vector.load %arg7[%swap3A, %swap3A_180, %swap3A_181] : memref<2x512x512xf32, #tpu.memory_space<vmem>>, vector<1x512x512xf32>
      %swap3A_183 = vector.shape_cast %swap3A_182 : vector<1x512x512xf32> to vector<512x512xf32>
      %swap3A_184 = vector.shape_cast %add3A_179 : vector<512x512xf32> to vector<1x512x512xf32>
      tpu.vector_store %arg7[%swap3A, %swap3A_180, %swap3A_181], %swap3A_184 {strides = array<i32>} : memref<2x512x512xf32, #tpu.memory_space<vmem>>, vector<1x512x512xf32>,
      %get3A_185 = arith.index_cast %arg1 : i32 to index
      %get3A_186 = arith.constant 0 : index
      %get3A_187 = arith.constant 0 : index
      %get3A_188 = vector.load %arg7[%get3A_185, %get3A_186, %get3A_187] : memref<2x512x512xf32, #tpu.memory_space<vmem>>, vector<1x512x512xf32>
      %get3A_189 = vector.shape_cast %get3A_188 : vector<1x512x512xf32> to vector<512x512xf32>
      %slice3A_190 = vector.extract_strided_slice %get3A_40 {offsets = [1, 0, 0], sizes = [1, 259, 512], strides = [1, 1, 1]} : vector<8x259x512xf32> to vector<1x259x512xf32>
      %squeeze3A_191 = vector.shape_cast %slice3A_190 : vector<1x259x512xf32> to vector<259x512xf32>
      %slice3A_192 = vector.extract_strided_slice %get3A_50 {offsets = [265, 0], sizes = [259, 512], strides = [1, 1]} : vector<2080x512xf32> to vector<259x512xf32>
      %dot_general3A_193 = arith.constant dense<0.000000e+00> : vector<512x512xf32>
      %dot_general3A_194 = tpu.matmul %squeeze3A_191, %slice3A_192, %dot_general3A_193 {dimension_numbers = #tpu.dot_dimension_numbers<[0], [0], [1], [1], [0, 1, 1, 1], [], []>, transpose_lhs_hint = false} : vector<259x512xf32>, vector<259x512xf32>, vector<512x512xf32> -> vector<512x512xf32>
      %add3A_195 = arith.addf %get3A_189, %dot_general3A_194 : vector<512x512xf32>
      %swap3A_196 = arith.index_cast %arg1 : i32 to index
      %swap3A_197 = arith.constant 0 : index
      %swap3A_198 = arith.constant 0 : index
      %swap3A_199 = vector.load %arg7[%swap3A_196, %swap3A_197, %swap3A_198] : memref<2x512x512xf32, #tpu.memory_space<vmem>>, vector<1x512x512xf32>
      %swap3A_200 = vector.shape_cast %swap3A_199 : vector<1x512x512xf32> to vector<512x512xf32>
      %swap3A_201 = vector.shape_cast %add3A_195 : vector<512x512xf32> to vector<1x512x512xf32>
      tpu.vector_store %arg7[%swap3A_196, %swap3A_197, %swap3A_198], %swap3A_201 {strides = array<i32>} : memref<2x512x512xf32, #tpu.memory_space<vmem>>, vector<1x512x512xf32>,
    } else {
    }
    %eq3A_79 = arith.constant 6 : i32
    %eq3A_80 = arith.cmpi eq, %arg0, %eq3A_79 : i32
    %convert_element_type3A_81 = arith.extui %eq3A_80 : i1 to i32
    %cond3A_82 = arith.constant 0 : i32
    %cond3A_83 = arith.cmpi ne, %convert_element_type3A_81, %cond3A_82 : i32
    scf.if %cond3A_83 {
      %get3A_172 = arith.index_cast %arg1 : i32 to index
      %get3A_173 = arith.constant 0 : index
      %get3A_174 = arith.constant 0 : index
      %get3A_175 = vector.load %arg7[%get3A_172, %get3A_173, %get3A_174] : memref<2x512x512xf32, #tpu.memory_space<vmem>>, vector<1x512x512xf32>
      %get3A_176 = vector.shape_cast %get3A_175 : vector<1x512x512xf32> to vector<512x512xf32>
      %slice3A = vector.extract_strided_slice %get3A_36 {offsets = [1, 0, 0], sizes = [1, 259, 512], strides = [1, 1, 1]} : vector<8x259x512xf32> to vector<1x259x512xf32>
      %squeeze3A = vector.shape_cast %slice3A : vector<1x259x512xf32> to vector<259x512xf32>
      %slice3A_177 = vector.extract_strided_slice %get3A_45 {offsets = [259, 0], sizes = [259, 512], strides = [1, 1]} : vector<2072x512xf32> to vector<259x512xf32>
      %dot_general3A = arith.constant dense<0.000000e+00> : vector<512x512xf32>
      %dot_general3A_178 = tpu.matmul %squeeze3A, %slice3A_177, %dot_general3A {dimension_numbers = #tpu.dot_dimension_numbers<[0], [0], [1], [1], [0, 1, 1, 1], [], []>, transpose_lhs_hint = false} : vector<259x512xf32>, vector<259x512xf32>, vector<512x512xf32> -> vector<512x512xf32>
      %add3A_179 = arith.addf %get3A_176, %dot_general3A_178 : vector<512x512xf32>
      %swap3A = arith.index_cast %arg1 : i32 to index
      %swap3A_180 = arith.constant 0 : index
      %swap3A_181 = arith.constant 0 : index
      %swap3A_182 = vector.load %arg7[%swap3A, %swap3A_180, %swap3A_181] : memref<2x512x512xf32, #tpu.memory_space<vmem>>, vector<1x512x512xf32>
      %swap3A_183 = vector.shape_cast %swap3A_182 : vector<1x512x512xf32> to vector<512x512xf32>
      %swap3A_184 = vector.shape_cast %add3A_179 : vector<512x512xf32> to vector<1x512x512xf32>
      tpu.vector_store %arg7[%swap3A, %swap3A_180, %swap3A_181], %swap3A_184 {strides = array<i32>} : memref<2x512x512xf32, #tpu.memory_space<vmem>>, vector<1x512x512xf32>,
      %get3A_185 = arith.index_cast %arg1 : i32 to index
      %get3A_186 = arith.constant 0 : index
      %get3A_187 = arith.constant 0 : index
      %get3A_188 = vector.load %arg7[%get3A_185, %get3A_186, %get3A_187] : memref<2x512x512xf32, #tpu.memory_space<vmem>>, vector<1x512x512xf32>
      %get3A_189 = vector.shape_cast %get3A_188 : vector<1x512x512xf32> to vector<512x512xf32>
      %slice3A_190 = vector.extract_strided_slice %get3A_40 {offsets = [1, 0, 0], sizes = [1, 259, 512], strides = [1, 1, 1]} : vector<8x259x512xf32> to vector<1x259x512xf32>
      %squeeze3A_191 = vector.shape_cast %slice3A_190 : vector<1x259x512xf32> to vector<259x512xf32>
      %get3A_192 = arith.constant 259 : index
      %get3A_193 = arith.constant 0 : index
      %get3A_194 = vector.load %arg5[%get3A_192, %get3A_193] : memref<518x512xf32, #tpu.memory_space<vmem>>, vector<259x512xf32>
      %dot_general3A_195 = arith.constant dense<0.000000e+00> : vector<512x512xf32>
      %dot_general3A_196 = tpu.matmul %squeeze3A_191, %get3A_194, %dot_general3A_195 {dimension_numbers = #tpu.dot_dimension_numbers<[0], [0], [1], [1], [0, 1, 1, 1], [], []>, transpose_lhs_hint = false} : vector<259x512xf32>, vector<259x512xf32>, vector<512x512xf32> -> vector<512x512xf32>
      %add3A_197 = arith.addf %get3A_189, %dot_general3A_196 : vector<512x512xf32>
      %swap3A_198 = arith.index_cast %arg1 : i32 to index
      %swap3A_199 = arith.constant 0 : index
      %swap3A_200 = arith.constant 0 : index
      %swap3A_201 = vector.load %arg7[%swap3A_198, %swap3A_199, %swap3A_200] : memref<2x512x512xf32, #tpu.memory_space<vmem>>, vector<1x512x512xf32>
      %swap3A_202 = vector.shape_cast %swap3A_201 : vector<1x512x512xf32> to vector<512x512xf32>
      %swap3A_203 = vector.shape_cast %add3A_197 : vector<512x512xf32> to vector<1x512x512xf32>
      tpu.vector_store %arg7[%swap3A_198, %swap3A_199, %swap3A_200], %swap3A_203 {strides = array<i32>} : memref<2x512x512xf32, #tpu.memory_space<vmem>>, vector<1x512x512xf32>,
    } else {
    }
    %mul3A_84 = arith.constant 8 : i32
    %mul3A_85 = arith.muli %arg0, %mul3A_84 : i32
    %add3A_86 = arith.constant 2 : i32
    %add3A_87 = arith.addi %mul3A_85, %add3A_86 : i32
    %lt3A_88 = arith.constant 50 : i32
    %lt3A_89 = arith.cmpi slt, %add3A_87, %lt3A_88 : i32
    %lt3A_90 = arith.constant 6 : i32
    %lt3A_91 = arith.cmpi slt, %arg0, %lt3A_90 : i32
    %and3A_92 = arith.andi %lt3A_89, %lt3A_91 : i1
    %convert_element_type3A_93 = arith.extui %and3A_92 : i1 to i32
    %cond3A_94 = arith.constant 0 : i32
    %cond3A_95 = arith.cmpi ne, %convert_element_type3A_93, %cond3A_94 : i32
    scf.if %cond3A_95 {
      %get3A_172 = arith.index_cast %arg1 : i32 to index
      %get3A_173 = arith.constant 0 : index
      %get3A_174 = arith.constant 0 : index
      %get3A_175 = vector.load %arg7[%get3A_172, %get3A_173, %get3A_174] : memref<2x512x512xf32, #tpu.memory_space<vmem>>, vector<1x512x512xf32>
      %get3A_176 = vector.shape_cast %get3A_175 : vector<1x512x512xf32> to vector<512x512xf32>
      %slice3A = vector.extract_strided_slice %get3A_36 {offsets = [2, 0, 0], sizes = [1, 259, 512], strides = [1, 1, 1]} : vector<8x259x512xf32> to vector<1x259x512xf32>
      %squeeze3A = vector.shape_cast %slice3A : vector<1x259x512xf32> to vector<259x512xf32>
      %slice3A_177 = vector.extract_strided_slice %get3A_45 {offsets = [518, 0], sizes = [259, 512], strides = [1, 1]} : vector<2072x512xf32> to vector<259x512xf32>
      %dot_general3A = arith.constant dense<0.000000e+00> : vector<512x512xf32>
      %dot_general3A_178 = tpu.matmul %squeeze3A, %slice3A_177, %dot_general3A {dimension_numbers = #tpu.dot_dimension_numbers<[0], [0], [1], [1], [0, 1, 1, 1], [], []>, transpose_lhs_hint = false} : vector<259x512xf32>, vector<259x512xf32>, vector<512x512xf32> -> vector<512x512xf32>
      %add3A_179 = arith.addf %get3A_176, %dot_general3A_178 : vector<512x512xf32>
      %swap3A = arith.index_cast %arg1 : i32 to index
      %swap3A_180 = arith.constant 0 : index
      %swap3A_181 = arith.constant 0 : index
      %swap3A_182 = vector.load %arg7[%swap3A, %swap3A_180, %swap3A_181] : memref<2x512x512xf32, #tpu.memory_space<vmem>>, vector<1x512x512xf32>
      %swap3A_183 = vector.shape_cast %swap3A_182 : vector<1x512x512xf32> to vector<512x512xf32>
      %swap3A_184 = vector.shape_cast %add3A_179 : vector<512x512xf32> to vector<1x512x512xf32>
      tpu.vector_store %arg7[%swap3A, %swap3A_180, %swap3A_181], %swap3A_184 {strides = array<i32>} : memref<2x512x512xf32, #tpu.memory_space<vmem>>, vector<1x512x512xf32>,
      %get3A_185 = arith.index_cast %arg1 : i32 to index
      %get3A_186 = arith.constant 0 : index
      %get3A_187 = arith.constant 0 : index
      %get3A_188 = vector.load %arg7[%get3A_185, %get3A_186, %get3A_187] : memref<2x512x512xf32, #tpu.memory_space<vmem>>, vector<1x512x512xf32>
      %get3A_189 = vector.shape_cast %get3A_188 : vector<1x512x512xf32> to vector<512x512xf32>
      %slice3A_190 = vector.extract_strided_slice %get3A_40 {offsets = [2, 0, 0], sizes = [1, 259, 512], strides = [1, 1, 1]} : vector<8x259x512xf32> to vector<1x259x512xf32>
      %squeeze3A_191 = vector.shape_cast %slice3A_190 : vector<1x259x512xf32> to vector<259x512xf32>
      %slice3A_192 = vector.extract_strided_slice %get3A_50 {offsets = [524, 0], sizes = [259, 512], strides = [1, 1]} : vector<2080x512xf32> to vector<259x512xf32>
      %dot_general3A_193 = arith.constant dense<0.000000e+00> : vector<512x512xf32>
      %dot_general3A_194 = tpu.matmul %squeeze3A_191, %slice3A_192, %dot_general3A_193 {dimension_numbers = #tpu.dot_dimension_numbers<[0], [0], [1], [1], [0, 1, 1, 1], [], []>, transpose_lhs_hint = false} : vector<259x512xf32>, vector<259x512xf32>, vector<512x512xf32> -> vector<512x512xf32>
      %add3A_195 = arith.addf %get3A_189, %dot_general3A_194 : vector<512x512xf32>
      %swap3A_196 = arith.index_cast %arg1 : i32 to index
      %swap3A_197 = arith.constant 0 : index
      %swap3A_198 = arith.constant 0 : index
      %swap3A_199 = vector.load %arg7[%swap3A_196, %swap3A_197, %swap3A_198] : memref<2x512x512xf32, #tpu.memory_space<vmem>>, vector<1x512x512xf32>
      %swap3A_200 = vector.shape_cast %swap3A_199 : vector<1x512x512xf32> to vector<512x512xf32>
      %swap3A_201 = vector.shape_cast %add3A_195 : vector<512x512xf32> to vector<1x512x512xf32>
      tpu.vector_store %arg7[%swap3A_196, %swap3A_197, %swap3A_198], %swap3A_201 {strides = array<i32>} : memref<2x512x512xf32, #tpu.memory_space<vmem>>, vector<1x512x512xf32>,
    } else {
    }
    %mul3A_96 = arith.constant 8 : i32
    %mul3A_97 = arith.muli %arg0, %mul3A_96 : i32
    %add3A_98 = arith.constant 3 : i32
    %add3A_99 = arith.addi %mul3A_97, %add3A_98 : i32
    %lt3A_100 = arith.constant 50 : i32
    %lt3A_101 = arith.cmpi slt, %add3A_99, %lt3A_100 : i32
    %lt3A_102 = arith.constant 6 : i32
    %lt3A_103 = arith.cmpi slt, %arg0, %lt3A_102 : i32
    %and3A_104 = arith.andi %lt3A_101, %lt3A_103 : i1
    %convert_element_type3A_105 = arith.extui %and3A_104 : i1 to i32
    %cond3A_106 = arith.constant 0 : i32
    %cond3A_107 = arith.cmpi ne, %convert_element_type3A_105, %cond3A_106 : i32
    scf.if %cond3A_107 {
      %get3A_172 = arith.index_cast %arg1 : i32 to index
      %get3A_173 = arith.constant 0 : index
      %get3A_174 = arith.constant 0 : index
      %get3A_175 = vector.load %arg7[%get3A_172, %get3A_173, %get3A_174] : memref<2x512x512xf32, #tpu.memory_space<vmem>>, vector<1x512x512xf32>
      %get3A_176 = vector.shape_cast %get3A_175 : vector<1x512x512xf32> to vector<512x512xf32>
      %slice3A = vector.extract_strided_slice %get3A_36 {offsets = [3, 0, 0], sizes = [1, 259, 512], strides = [1, 1, 1]} : vector<8x259x512xf32> to vector<1x259x512xf32>
      %squeeze3A = vector.shape_cast %slice3A : vector<1x259x512xf32> to vector<259x512xf32>
      %slice3A_177 = vector.extract_strided_slice %get3A_45 {offsets = [777, 0], sizes = [259, 512], strides = [1, 1]} : vector<2072x512xf32> to vector<259x512xf32>
      %dot_general3A = arith.constant dense<0.000000e+00> : vector<512x512xf32>
      %dot_general3A_178 = tpu.matmul %squeeze3A, %slice3A_177, %dot_general3A {dimension_numbers = #tpu.dot_dimension_numbers<[0], [0], [1], [1], [0, 1, 1, 1], [], []>, transpose_lhs_hint = false} : vector<259x512xf32>, vector<259x512xf32>, vector<512x512xf32> -> vector<512x512xf32>
      %add3A_179 = arith.addf %get3A_176, %dot_general3A_178 : vector<512x512xf32>
      %swap3A = arith.index_cast %arg1 : i32 to index
      %swap3A_180 = arith.constant 0 : index
      %swap3A_181 = arith.constant 0 : index
      %swap3A_182 = vector.load %arg7[%swap3A, %swap3A_180, %swap3A_181] : memref<2x512x512xf32, #tpu.memory_space<vmem>>, vector<1x512x512xf32>
      %swap3A_183 = vector.shape_cast %swap3A_182 : vector<1x512x512xf32> to vector<512x512xf32>
      %swap3A_184 = vector.shape_cast %add3A_179 : vector<512x512xf32> to vector<1x512x512xf32>
      tpu.vector_store %arg7[%swap3A, %swap3A_180, %swap3A_181], %swap3A_184 {strides = array<i32>} : memref<2x512x512xf32, #tpu.memory_space<vmem>>, vector<1x512x512xf32>,
      %get3A_185 = arith.index_cast %arg1 : i32 to index
      %get3A_186 = arith.constant 0 : index
      %get3A_187 = arith.constant 0 : index
      %get3A_188 = vector.load %arg7[%get3A_185, %get3A_186, %get3A_187] : memref<2x512x512xf32, #tpu.memory_space<vmem>>, vector<1x512x512xf32>
      %get3A_189 = vector.shape_cast %get3A_188 : vector<1x512x512xf32> to vector<512x512xf32>
      %slice3A_190 = vector.extract_strided_slice %get3A_40 {offsets = [3, 0, 0], sizes = [1, 259, 512], strides = [1, 1, 1]} : vector<8x259x512xf32> to vector<1x259x512xf32>
      %squeeze3A_191 = vector.shape_cast %slice3A_190 : vector<1x259x512xf32> to vector<259x512xf32>
      %slice3A_192 = vector.extract_strided_slice %get3A_50 {offsets = [783, 0], sizes = [259, 512], strides = [1, 1]} : vector<2080x512xf32> to vector<259x512xf32>
      %dot_general3A_193 = arith.constant dense<0.000000e+00> : vector<512x512xf32>
      %dot_general3A_194 = tpu.matmul %squeeze3A_191, %slice3A_192, %dot_general3A_193 {dimension_numbers = #tpu.dot_dimension_numbers<[0], [0], [1], [1], [0, 1, 1, 1], [], []>, transpose_lhs_hint = false} : vector<259x512xf32>, vector<259x512xf32>, vector<512x512xf32> -> vector<512x512xf32>
      %add3A_195 = arith.addf %get3A_189, %dot_general3A_194 : vector<512x512xf32>
      %swap3A_196 = arith.index_cast %arg1 : i32 to index
      %swap3A_197 = arith.constant 0 : index
      %swap3A_198 = arith.constant 0 : index
      %swap3A_199 = vector.load %arg7[%swap3A_196, %swap3A_197, %swap3A_198] : memref<2x512x512xf32, #tpu.memory_space<vmem>>, vector<1x512x512xf32>
      %swap3A_200 = vector.shape_cast %swap3A_199 : vector<1x512x512xf32> to vector<512x512xf32>
      %swap3A_201 = vector.shape_cast %add3A_195 : vector<512x512xf32> to vector<1x512x512xf32>
      tpu.vector_store %arg7[%swap3A_196, %swap3A_197, %swap3A_198], %swap3A_201 {strides = array<i32>} : memref<2x512x512xf32, #tpu.memory_space<vmem>>, vector<1x512x512xf32>,
    } else {
    }
    %mul3A_108 = arith.constant 8 : i32
    %mul3A_109 = arith.muli %arg0, %mul3A_108 : i32
    %add3A_110 = arith.constant 4 : i32
    %add3A_111 = arith.addi %mul3A_109, %add3A_110 : i32
    %lt3A_112 = arith.constant 50 : i32
    %lt3A_113 = arith.cmpi slt, %add3A_111, %lt3A_112 : i32
    %lt3A_114 = arith.constant 6 : i32
    %lt3A_115 = arith.cmpi slt, %arg0, %lt3A_114 : i32
    %and3A_116 = arith.andi %lt3A_113, %lt3A_115 : i1
    %convert_element_type3A_117 = arith.extui %and3A_116 : i1 to i32
    %cond3A_118 = arith.constant 0 : i32
    %cond3A_119 = arith.cmpi ne, %convert_element_type3A_117, %cond3A_118 : i32
    scf.if %cond3A_119 {
      %get3A_172 = arith.index_cast %arg1 : i32 to index
      %get3A_173 = arith.constant 0 : index
      %get3A_174 = arith.constant 0 : index
      %get3A_175 = vector.load %arg7[%get3A_172, %get3A_173, %get3A_174] : memref<2x512x512xf32, #tpu.memory_space<vmem>>, vector<1x512x512xf32>
      %get3A_176 = vector.shape_cast %get3A_175 : vector<1x512x512xf32> to vector<512x512xf32>
      %slice3A = vector.extract_strided_slice %get3A_36 {offsets = [4, 0, 0], sizes = [1, 259, 512], strides = [1, 1, 1]} : vector<8x259x512xf32> to vector<1x259x512xf32>
      %squeeze3A = vector.shape_cast %slice3A : vector<1x259x512xf32> to vector<259x512xf32>
      %slice3A_177 = vector.extract_strided_slice %get3A_45 {offsets = [1036, 0], sizes = [259, 512], strides = [1, 1]} : vector<2072x512xf32> to vector<259x512xf32>
      %dot_general3A = arith.constant dense<0.000000e+00> : vector<512x512xf32>
      %dot_general3A_178 = tpu.matmul %squeeze3A, %slice3A_177, %dot_general3A {dimension_numbers = #tpu.dot_dimension_numbers<[0], [0], [1], [1], [0, 1, 1, 1], [], []>, transpose_lhs_hint = false} : vector<259x512xf32>, vector<259x512xf32>, vector<512x512xf32> -> vector<512x512xf32>
      %add3A_179 = arith.addf %get3A_176, %dot_general3A_178 : vector<512x512xf32>
      %swap3A = arith.index_cast %arg1 : i32 to index
      %swap3A_180 = arith.constant 0 : index
      %swap3A_181 = arith.constant 0 : index
      %swap3A_182 = vector.load %arg7[%swap3A, %swap3A_180, %swap3A_181] : memref<2x512x512xf32, #tpu.memory_space<vmem>>, vector<1x512x512xf32>
      %swap3A_183 = vector.shape_cast %swap3A_182 : vector<1x512x512xf32> to vector<512x512xf32>
      %swap3A_184 = vector.shape_cast %add3A_179 : vector<512x512xf32> to vector<1x512x512xf32>
      tpu.vector_store %arg7[%swap3A, %swap3A_180, %swap3A_181], %swap3A_184 {strides = array<i32>} : memref<2x512x512xf32, #tpu.memory_space<vmem>>, vector<1x512x512xf32>,
      %get3A_185 = arith.index_cast %arg1 : i32 to index
      %get3A_186 = arith.constant 0 : index
      %get3A_187 = arith.constant 0 : index
      %get3A_188 = vector.load %arg7[%get3A_185, %get3A_186, %get3A_187] : memref<2x512x512xf32, #tpu.memory_space<vmem>>, vector<1x512x512xf32>
      %get3A_189 = vector.shape_cast %get3A_188 : vector<1x512x512xf32> to vector<512x512xf32>
      %slice3A_190 = vector.extract_strided_slice %get3A_40 {offsets = [4, 0, 0], sizes = [1, 259, 512], strides = [1, 1, 1]} : vector<8x259x512xf32> to vector<1x259x512xf32>
      %squeeze3A_191 = vector.shape_cast %slice3A_190 : vector<1x259x512xf32> to vector<259x512xf32>
      %slice3A_192 = vector.extract_strided_slice %get3A_50 {offsets = [1042, 0], sizes = [259, 512], strides = [1, 1]} : vector<2080x512xf32> to vector<259x512xf32>
      %dot_general3A_193 = arith.constant dense<0.000000e+00> : vector<512x512xf32>
      %dot_general3A_194 = tpu.matmul %squeeze3A_191, %slice3A_192, %dot_general3A_193 {dimension_numbers = #tpu.dot_dimension_numbers<[0], [0], [1], [1], [0, 1, 1, 1], [], []>, transpose_lhs_hint = false} : vector<259x512xf32>, vector<259x512xf32>, vector<512x512xf32> -> vector<512x512xf32>
      %add3A_195 = arith.addf %get3A_189, %dot_general3A_194 : vector<512x512xf32>
      %swap3A_196 = arith.index_cast %arg1 : i32 to index
      %swap3A_197 = arith.constant 0 : index
      %swap3A_198 = arith.constant 0 : index
      %swap3A_199 = vector.load %arg7[%swap3A_196, %swap3A_197, %swap3A_198] : memref<2x512x512xf32, #tpu.memory_space<vmem>>, vector<1x512x512xf32>
      %swap3A_200 = vector.shape_cast %swap3A_199 : vector<1x512x512xf32> to vector<512x512xf32>
      %swap3A_201 = vector.shape_cast %add3A_195 : vector<512x512xf32> to vector<1x512x512xf32>
      tpu.vector_store %arg7[%swap3A_196, %swap3A_197, %swap3A_198], %swap3A_201 {strides = array<i32>} : memref<2x512x512xf32, #tpu.memory_space<vmem>>, vector<1x512x512xf32>,
    } else {
    }
    %mul3A_120 = arith.constant 8 : i32
    %mul3A_121 = arith.muli %arg0, %mul3A_120 : i32
    %add3A_122 = arith.constant 5 : i32
    %add3A_123 = arith.addi %mul3A_121, %add3A_122 : i32
    %lt3A_124 = arith.constant 50 : i32
    %lt3A_125 = arith.cmpi slt, %add3A_123, %lt3A_124 : i32
    %lt3A_126 = arith.constant 6 : i32
    %lt3A_127 = arith.cmpi slt, %arg0, %lt3A_126 : i32
    %and3A_128 = arith.andi %lt3A_125, %lt3A_127 : i1
    %convert_element_type3A_129 = arith.extui %and3A_128 : i1 to i32
    %cond3A_130 = arith.constant 0 : i32
    %cond3A_131 = arith.cmpi ne, %convert_element_type3A_129, %cond3A_130 : i32
    scf.if %cond3A_131 {
      %get3A_172 = arith.index_cast %arg1 : i32 to index
      %get3A_173 = arith.constant 0 : index
      %get3A_174 = arith.constant 0 : index
      %get3A_175 = vector.load %arg7[%get3A_172, %get3A_173, %get3A_174] : memref<2x512x512xf32, #tpu.memory_space<vmem>>, vector<1x512x512xf32>
      %get3A_176 = vector.shape_cast %get3A_175 : vector<1x512x512xf32> to vector<512x512xf32>
      %slice3A = vector.extract_strided_slice %get3A_36 {offsets = [5, 0, 0], sizes = [1, 259, 512], strides = [1, 1, 1]} : vector<8x259x512xf32> to vector<1x259x512xf32>
      %squeeze3A = vector.shape_cast %slice3A : vector<1x259x512xf32> to vector<259x512xf32>
      %slice3A_177 = vector.extract_strided_slice %get3A_45 {offsets = [1295, 0], sizes = [259, 512], strides = [1, 1]} : vector<2072x512xf32> to vector<259x512xf32>
      %dot_general3A = arith.constant dense<0.000000e+00> : vector<512x512xf32>
      %dot_general3A_178 = tpu.matmul %squeeze3A, %slice3A_177, %dot_general3A {dimension_numbers = #tpu.dot_dimension_numbers<[0], [0], [1], [1], [0, 1, 1, 1], [], []>, transpose_lhs_hint = false} : vector<259x512xf32>, vector<259x512xf32>, vector<512x512xf32> -> vector<512x512xf32>
      %add3A_179 = arith.addf %get3A_176, %dot_general3A_178 : vector<512x512xf32>
      %swap3A = arith.index_cast %arg1 : i32 to index
      %swap3A_180 = arith.constant 0 : index
      %swap3A_181 = arith.constant 0 : index
      %swap3A_182 = vector.load %arg7[%swap3A, %swap3A_180, %swap3A_181] : memref<2x512x512xf32, #tpu.memory_space<vmem>>, vector<1x512x512xf32>
      %swap3A_183 = vector.shape_cast %swap3A_182 : vector<1x512x512xf32> to vector<512x512xf32>
      %swap3A_184 = vector.shape_cast %add3A_179 : vector<512x512xf32> to vector<1x512x512xf32>
      tpu.vector_store %arg7[%swap3A, %swap3A_180, %swap3A_181], %swap3A_184 {strides = array<i32>} : memref<2x512x512xf32, #tpu.memory_space<vmem>>, vector<1x512x512xf32>,
      %get3A_185 = arith.index_cast %arg1 : i32 to index
      %get3A_186 = arith.constant 0 : index
      %get3A_187 = arith.constant 0 : index
      %get3A_188 = vector.load %arg7[%get3A_185, %get3A_186, %get3A_187] : memref<2x512x512xf32, #tpu.memory_space<vmem>>, vector<1x512x512xf32>
      %get3A_189 = vector.shape_cast %get3A_188 : vector<1x512x512xf32> to vector<512x512xf32>
      %slice3A_190 = vector.extract_strided_slice %get3A_40 {offsets = [5, 0, 0], sizes = [1, 259, 512], strides = [1, 1, 1]} : vector<8x259x512xf32> to vector<1x259x512xf32>
      %squeeze3A_191 = vector.shape_cast %slice3A_190 : vector<1x259x512xf32> to vector<259x512xf32>
      %slice3A_192 = vector.extract_strided_slice %get3A_50 {offsets = [1301, 0], sizes = [259, 512], strides = [1, 1]} : vector<2080x512xf32> to vector<259x512xf32>
      %dot_general3A_193 = arith.constant dense<0.000000e+00> : vector<512x512xf32>
      %dot_general3A_194 = tpu.matmul %squeeze3A_191, %slice3A_192, %dot_general3A_193 {dimension_numbers = #tpu.dot_dimension_numbers<[0], [0], [1], [1], [0, 1, 1, 1], [], []>, transpose_lhs_hint = false} : vector<259x512xf32>, vector<259x512xf32>, vector<512x512xf32> -> vector<512x512xf32>
      %add3A_195 = arith.addf %get3A_189, %dot_general3A_194 : vector<512x512xf32>
      %swap3A_196 = arith.index_cast %arg1 : i32 to index
      %swap3A_197 = arith.constant 0 : index
      %swap3A_198 = arith.constant 0 : index
      %swap3A_199 = vector.load %arg7[%swap3A_196, %swap3A_197, %swap3A_198] : memref<2x512x512xf32, #tpu.memory_space<vmem>>, vector<1x512x512xf32>
      %swap3A_200 = vector.shape_cast %swap3A_199 : vector<1x512x512xf32> to vector<512x512xf32>
      %swap3A_201 = vector.shape_cast %add3A_195 : vector<512x512xf32> to vector<1x512x512xf32>
      tpu.vector_store %arg7[%swap3A_196, %swap3A_197, %swap3A_198], %swap3A_201 {strides = array<i32>} : memref<2x512x512xf32, #tpu.memory_space<vmem>>, vector<1x512x512xf32>,
    } else {
    }
    %mul3A_132 = arith.constant 8 : i32
    %mul3A_133 = arith.muli %arg0, %mul3A_132 : i32
    %add3A_134 = arith.constant 6 : i32
    %add3A_135 = arith.addi %mul3A_133, %add3A_134 : i32
    %lt3A_136 = arith.constant 50 : i32
    %lt3A_137 = arith.cmpi slt, %add3A_135, %lt3A_136 : i32
    %lt3A_138 = arith.constant 6 : i32
    %lt3A_139 = arith.cmpi slt, %arg0, %lt3A_138 : i32
    %and3A_140 = arith.andi %lt3A_137, %lt3A_139 : i1
    %convert_element_type3A_141 = arith.extui %and3A_140 : i1 to i32
    %cond3A_142 = arith.constant 0 : i32
    %cond3A_143 = arith.cmpi ne, %convert_element_type3A_141, %cond3A_142 : i32
    scf.if %cond3A_143 {
      %get3A_172 = arith.index_cast %arg1 : i32 to index
      %get3A_173 = arith.constant 0 : index
      %get3A_174 = arith.constant 0 : index
      %get3A_175 = vector.load %arg7[%get3A_172, %get3A_173, %get3A_174] : memref<2x512x512xf32, #tpu.memory_space<vmem>>, vector<1x512x512xf32>
      %get3A_176 = vector.shape_cast %get3A_175 : vector<1x512x512xf32> to vector<512x512xf32>
      %slice3A = vector.extract_strided_slice %get3A_36 {offsets = [6, 0, 0], sizes = [1, 259, 512], strides = [1, 1, 1]} : vector<8x259x512xf32> to vector<1x259x512xf32>
      %squeeze3A = vector.shape_cast %slice3A : vector<1x259x512xf32> to vector<259x512xf32>
      %slice3A_177 = vector.extract_strided_slice %get3A_45 {offsets = [1554, 0], sizes = [259, 512], strides = [1, 1]} : vector<2072x512xf32> to vector<259x512xf32>
      %dot_general3A = arith.constant dense<0.000000e+00> : vector<512x512xf32>
      %dot_general3A_178 = tpu.matmul %squeeze3A, %slice3A_177, %dot_general3A {dimension_numbers = #tpu.dot_dimension_numbers<[0], [0], [1], [1], [0, 1, 1, 1], [], []>, transpose_lhs_hint = false} : vector<259x512xf32>, vector<259x512xf32>, vector<512x512xf32> -> vector<512x512xf32>
      %add3A_179 = arith.addf %get3A_176, %dot_general3A_178 : vector<512x512xf32>
      %swap3A = arith.index_cast %arg1 : i32 to index
      %swap3A_180 = arith.constant 0 : index
      %swap3A_181 = arith.constant 0 : index
      %swap3A_182 = vector.load %arg7[%swap3A, %swap3A_180, %swap3A_181] : memref<2x512x512xf32, #tpu.memory_space<vmem>>, vector<1x512x512xf32>
      %swap3A_183 = vector.shape_cast %swap3A_182 : vector<1x512x512xf32> to vector<512x512xf32>
      %swap3A_184 = vector.shape_cast %add3A_179 : vector<512x512xf32> to vector<1x512x512xf32>
      tpu.vector_store %arg7[%swap3A, %swap3A_180, %swap3A_181], %swap3A_184 {strides = array<i32>} : memref<2x512x512xf32, #tpu.memory_space<vmem>>, vector<1x512x512xf32>,
      %get3A_185 = arith.index_cast %arg1 : i32 to index
      %get3A_186 = arith.constant 0 : index
      %get3A_187 = arith.constant 0 : index
      %get3A_188 = vector.load %arg7[%get3A_185, %get3A_186, %get3A_187] : memref<2x512x512xf32, #tpu.memory_space<vmem>>, vector<1x512x512xf32>
      %get3A_189 = vector.shape_cast %get3A_188 : vector<1x512x512xf32> to vector<512x512xf32>
      %slice3A_190 = vector.extract_strided_slice %get3A_40 {offsets = [6, 0, 0], sizes = [1, 259, 512], strides = [1, 1, 1]} : vector<8x259x512xf32> to vector<1x259x512xf32>
      %squeeze3A_191 = vector.shape_cast %slice3A_190 : vector<1x259x512xf32> to vector<259x512xf32>
      %slice3A_192 = vector.extract_strided_slice %get3A_50 {offsets = [1560, 0], sizes = [259, 512], strides = [1, 1]} : vector<2080x512xf32> to vector<259x512xf32>
      %dot_general3A_193 = arith.constant dense<0.000000e+00> : vector<512x512xf32>
      %dot_general3A_194 = tpu.matmul %squeeze3A_191, %slice3A_192, %dot_general3A_193 {dimension_numbers = #tpu.dot_dimension_numbers<[0], [0], [1], [1], [0, 1, 1, 1], [], []>, transpose_lhs_hint = false} : vector<259x512xf32>, vector<259x512xf32>, vector<512x512xf32> -> vector<512x512xf32>
      %add3A_195 = arith.addf %get3A_189, %dot_general3A_194 : vector<512x512xf32>
      %swap3A_196 = arith.index_cast %arg1 : i32 to index
      %swap3A_197 = arith.constant 0 : index
      %swap3A_198 = arith.constant 0 : index
      %swap3A_199 = vector.load %arg7[%swap3A_196, %swap3A_197, %swap3A_198] : memref<2x512x512xf32, #tpu.memory_space<vmem>>, vector<1x512x512xf32>
      %swap3A_200 = vector.shape_cast %swap3A_199 : vector<1x512x512xf32> to vector<512x512xf32>
      %swap3A_201 = vector.shape_cast %add3A_195 : vector<512x512xf32> to vector<1x512x512xf32>
      tpu.vector_store %arg7[%swap3A_196, %swap3A_197, %swap3A_198], %swap3A_201 {strides = array<i32>} : memref<2x512x512xf32, #tpu.memory_space<vmem>>, vector<1x512x512xf32>,
    } else {
    }
    %mul3A_144 = arith.constant 8 : i32
    %mul3A_145 = arith.muli %arg0, %mul3A_144 : i32
    %add3A_146 = arith.constant 7 : i32
    %add3A_147 = arith.addi %mul3A_145, %add3A_146 : i32
    %lt3A_148 = arith.constant 50 : i32
    %lt3A_149 = arith.cmpi slt, %add3A_147, %lt3A_148 : i32
    %lt3A_150 = arith.constant 6 : i32
    %lt3A_151 = arith.cmpi slt, %arg0, %lt3A_150 : i32
    %and3A_152 = arith.andi %lt3A_149, %lt3A_151 : i1
    %convert_element_type3A_153 = arith.extui %and3A_152 : i1 to i32
    %cond3A_154 = arith.constant 0 : i32
    %cond3A_155 = arith.cmpi ne, %convert_element_type3A_153, %cond3A_154 : i32
    scf.if %cond3A_155 {
      %get3A_172 = arith.index_cast %arg1 : i32 to index
      %get3A_173 = arith.constant 0 : index
      %get3A_174 = arith.constant 0 : index
      %get3A_175 = vector.load %arg7[%get3A_172, %get3A_173, %get3A_174] : memref<2x512x512xf32, #tpu.memory_space<vmem>>, vector<1x512x512xf32>
      %get3A_176 = vector.shape_cast %get3A_175 : vector<1x512x512xf32> to vector<512x512xf32>
      %slice3A = vector.extract_strided_slice %get3A_36 {offsets = [7, 0, 0], sizes = [1, 259, 512], strides = [1, 1, 1]} : vector<8x259x512xf32> to vector<1x259x512xf32>
      %squeeze3A = vector.shape_cast %slice3A : vector<1x259x512xf32> to vector<259x512xf32>
      %slice3A_177 = vector.extract_strided_slice %get3A_45 {offsets = [1813, 0], sizes = [259, 512], strides = [1, 1]} : vector<2072x512xf32> to vector<259x512xf32>
      %dot_general3A = arith.constant dense<0.000000e+00> : vector<512x512xf32>
      %dot_general3A_178 = tpu.matmul %squeeze3A, %slice3A_177, %dot_general3A {dimension_numbers = #tpu.dot_dimension_numbers<[0], [0], [1], [1], [0, 1, 1, 1], [], []>, transpose_lhs_hint = false} : vector<259x512xf32>, vector<259x512xf32>, vector<512x512xf32> -> vector<512x512xf32>
      %add3A_179 = arith.addf %get3A_176, %dot_general3A_178 : vector<512x512xf32>
      %swap3A = arith.index_cast %arg1 : i32 to index
      %swap3A_180 = arith.constant 0 : index
      %swap3A_181 = arith.constant 0 : index
      %swap3A_182 = vector.load %arg7[%swap3A, %swap3A_180, %swap3A_181] : memref<2x512x512xf32, #tpu.memory_space<vmem>>, vector<1x512x512xf32>
      %swap3A_183 = vector.shape_cast %swap3A_182 : vector<1x512x512xf32> to vector<512x512xf32>
      %swap3A_184 = vector.shape_cast %add3A_179 : vector<512x512xf32> to vector<1x512x512xf32>
      tpu.vector_store %arg7[%swap3A, %swap3A_180, %swap3A_181], %swap3A_184 {strides = array<i32>} : memref<2x512x512xf32, #tpu.memory_space<vmem>>, vector<1x512x512xf32>,
      %get3A_185 = arith.index_cast %arg1 : i32 to index
      %get3A_186 = arith.constant 0 : index
      %get3A_187 = arith.constant 0 : index
      %get3A_188 = vector.load %arg7[%get3A_185, %get3A_186, %get3A_187] : memref<2x512x512xf32, #tpu.memory_space<vmem>>, vector<1x512x512xf32>
      %get3A_189 = vector.shape_cast %get3A_188 : vector<1x512x512xf32> to vector<512x512xf32>
      %slice3A_190 = vector.extract_strided_slice %get3A_40 {offsets = [7, 0, 0], sizes = [1, 259, 512], strides = [1, 1, 1]} : vector<8x259x512xf32> to vector<1x259x512xf32>
      %squeeze3A_191 = vector.shape_cast %slice3A_190 : vector<1x259x512xf32> to vector<259x512xf32>
      %slice3A_192 = vector.extract_strided_slice %get3A_50 {offsets = [1819, 0], sizes = [259, 512], strides = [1, 1]} : vector<2080x512xf32> to vector<259x512xf32>
      %dot_general3A_193 = arith.constant dense<0.000000e+00> : vector<512x512xf32>
      %dot_general3A_194 = tpu.matmul %squeeze3A_191, %slice3A_192, %dot_general3A_193 {dimension_numbers = #tpu.dot_dimension_numbers<[0], [0], [1], [1], [0, 1, 1, 1], [], []>, transpose_lhs_hint = false} : vector<259x512xf32>, vector<259x512xf32>, vector<512x512xf32> -> vector<512x512xf32>
      %add3A_195 = arith.addf %get3A_189, %dot_general3A_194 : vector<512x512xf32>
      %swap3A_196 = arith.index_cast %arg1 : i32 to index
      %swap3A_197 = arith.constant 0 : index
      %swap3A_198 = arith.constant 0 : index
      %swap3A_199 = vector.load %arg7[%swap3A_196, %swap3A_197, %swap3A_198] : memref<2x512x512xf32, #tpu.memory_space<vmem>>, vector<1x512x512xf32>
      %swap3A_200 = vector.shape_cast %swap3A_199 : vector<1x512x512xf32> to vector<512x512xf32>
      %swap3A_201 = vector.shape_cast %add3A_195 : vector<512x512xf32> to vector<1x512x512xf32>
      tpu.vector_store %arg7[%swap3A_196, %swap3A_197, %swap3A_198], %swap3A_201 {strides = array<i32>} : memref<2x512x512xf32, #tpu.memory_space<vmem>>, vector<1x512x512xf32>,
    } else {
    }
    %eq3A_156 = arith.constant 6 : i32
    %eq3A_157 = arith.cmpi eq, %arg0, %eq3A_156 : i32
    %eq3A_158 = arith.constant 0 : i32
    %eq3A_159 = arith.cmpi eq, %arg1, %eq3A_158 : i32
    %and3A_160 = arith.andi %eq3A_157, %eq3A_159 : i1
    %convert_element_type3A_161 = arith.extui %and3A_160 : i1 to i32
    %cond3A_162 = arith.constant 0 : i32
    %cond3A_163 = arith.cmpi ne, %convert_element_type3A_161, %cond3A_162 : i32
    scf.if %cond3A_163 {
      %get3A_172 = arith.index_cast %arg1 : i32 to index
      %get3A_173 = arith.constant 0 : index
      %get3A_174 = arith.constant 0 : index
      %get3A_175 = vector.load %arg7[%get3A_172, %get3A_173, %get3A_174] : memref<2x512x512xf32, #tpu.memory_space<vmem>>, vector<1x512x512xf32>
      %get3A_176 = vector.shape_cast %get3A_175 : vector<1x512x512xf32> to vector<512x512xf32>
      %swap3A = arith.constant 0 : index
      %swap3A_177 = arith.constant 0 : index
      %swap3A_178 = vector.load %arg6[%swap3A, %swap3A_177] : memref<1024x512xf32, #tpu.memory_space<vmem>>, vector<512x512xf32>
      tpu.vector_store %arg6[%swap3A, %swap3A_177], %get3A_176 {strides = array<i32>} : memref<1024x512xf32, #tpu.memory_space<vmem>>, vector<512x512xf32>,
    } else {
    }
    %eq3A_164 = arith.constant 6 : i32
    %eq3A_165 = arith.cmpi eq, %arg0, %eq3A_164 : i32
    %eq3A_166 = arith.constant 1 : i32
    %eq3A_167 = arith.cmpi eq, %arg1, %eq3A_166 : i32
    %and3A_168 = arith.andi %eq3A_165, %eq3A_167 : i1
    %convert_element_type3A_169 = arith.extui %and3A_168 : i1 to i32
    %cond3A_170 = arith.constant 0 : i32
    %cond3A_171 = arith.cmpi ne, %convert_element_type3A_169, %cond3A_170 : i32
    scf.if %cond3A_171 {
      %get3A_172 = arith.index_cast %arg1 : i32 to index
      %get3A_173 = arith.constant 0 : index
      %get3A_174 = arith.constant 0 : index
      %get3A_175 = vector.load %arg7[%get3A_172, %get3A_173, %get3A_174] : memref<2x512x512xf32, #tpu.memory_space<vmem>>, vector<1x512x512xf32>
      %get3A_176 = vector.shape_cast %get3A_175 : vector<1x512x512xf32> to vector<512x512xf32>
      %swap3A = arith.constant 512 : index
      %swap3A_177 = arith.constant 0 : index
      %swap3A_178 = vector.load %arg6[%swap3A, %swap3A_177] : memref<1024x512xf32, #tpu.memory_space<vmem>>, vector<512x512xf32>
      tpu.vector_store %arg6[%swap3A, %swap3A_177], %get3A_176 {strides = array<i32>} : memref<1024x512xf32, #tpu.memory_space<vmem>>, vector<512x512xf32>,
    } else {
    }
    return
  }
  func.func @transform_0(%arg0: i32, %arg1: i32) -> (i32, i32, i32) {
    %c0_i32 = arith.constant 0 : i32
    %c0_i32_0 = arith.constant 0 : i32
    return %arg0, %c0_i32, %arg1 : i32, i32, i32
  }
  func.func @transform_1(%arg0: i32, %arg1: i32) -> (i32, i32, i32) {
    %c0_i32 = arith.constant 0 : i32
    %c0_i32_0 = arith.constant 0 : i32
    return %arg0, %c0_i32, %arg1 : i32, i32, i32
  }
  func.func @transform_3(%arg0: i32, %arg1: i32) -> (i32, i32) {
    %c0_i32 = arith.constant 0 : i32
    %c0_i32_0 = arith.constant 0 : i32
    %c0_i32_1 = arith.constant 0 : i32
    return %c0_i32, %c0_i32_0 : i32, i32
  }
  func.func @transform_4(%arg0: i32, %arg1: i32) -> (i32, i32) {
    %c0_i32 = arith.constant 0 : i32
    %c0_i32_0 = arith.constant 0 : i32
    %c0_i32_1 = arith.constant 0 : i32
    return %c0_i32, %c0_i32_0 : i32, i32
  }
}

module attributes {stable_mosaic.version = 14 : i64} {
  func.func @_tc2_body(%arg0: i32, %arg1: memref<1024x512xf32, #tpu.memory_space<vmem>>, %arg2: memref<128x8x128xf32, #tpu.memory_space<vmem>>, %arg3: memref<128x8x128xf32, #tpu.memory_space<vmem>>, %arg4: memref<1024x259xf32, #tpu.memory_space<vmem>>, %arg5: memref<512x256xf32, #tpu.memory_space<vmem>>, %arg6: memref<1x256xf32, #tpu.memory_space<vmem>>, %arg7: memref<256x64xf32, #tpu.memory_space<vmem>>, %arg8: memref<1x64xf32, #tpu.memory_space<vmem>>, %arg9: memref<451x256xf32, #tpu.memory_space<vmem>>, %arg10: memref<1x256xf32, #tpu.memory_space<vmem>>, %arg11: memref<256x128xf32, #tpu.memory_space<vmem>>, %arg12: memref<1x128xf32, #tpu.memory_space<vmem>>, %arg13: memref<128x64xf32, #tpu.memory_space<vmem>>, %arg14: memref<1x64xf32, #tpu.memory_space<vmem>>, %arg15: memref<1024x1xf32, #tpu.memory_space<vmem>>) attributes {dimension_semantics = [#tpu.dimension_semantics<arbitrary>], iteration_bounds = array<i64: 1>, scalar_prefetch = 0 : i64, scratch_operands = 0 : i64, tpu.core_type = #tpu.core_type<tc>, window_params = [{pipeline_mode = #tpu.pipeline_mode<synchronous>, transform_indices = @transform_0, window_bounds = array<i64: 1024, 512>}, {transform_indices = @transform_1, window_bounds = array<i64: 128, 8, 128>}, {transform_indices = @transform_2, window_bounds = array<i64: 128, 8, 128>}, {pipeline_mode = #tpu.pipeline_mode<synchronous>, transform_indices = @transform_3, window_bounds = array<i64: 1024, 259>}, {pipeline_mode = #tpu.pipeline_mode<synchronous>, transform_indices = @transform_4, window_bounds = array<i64: 512, 256>}, {pipeline_mode = #tpu.pipeline_mode<synchronous>, transform_indices = @transform_5, window_bounds = array<i64: 1, 256>}, {pipeline_mode = #tpu.pipeline_mode<synchronous>, transform_indices = @transform_6, window_bounds = array<i64: 256, 64>}, {pipeline_mode = #tpu.pipeline_mode<synchronous>, transform_indices = @transform_7, window_bounds = array<i64: 1, 64>}, {pipeline_mode = #tpu.pipeline_mode<synchronous>, transform_indices = @transform_8, window_bounds = array<i64: 451, 256>}, {pipeline_mode = #tpu.pipeline_mode<synchronous>, transform_indices = @transform_9, window_bounds = array<i64: 1, 256>}, {pipeline_mode = #tpu.pipeline_mode<synchronous>, transform_indices = @transform_10, window_bounds = array<i64: 256, 128>}, {pipeline_mode = #tpu.pipeline_mode<synchronous>, transform_indices = @transform_11, window_bounds = array<i64: 1, 128>}, {pipeline_mode = #tpu.pipeline_mode<synchronous>, transform_indices = @transform_12, window_bounds = array<i64: 128, 64>}, {pipeline_mode = #tpu.pipeline_mode<synchronous>, transform_indices = @transform_13, window_bounds = array<i64: 1, 64>}, {pipeline_mode = #tpu.pipeline_mode<synchronous>, transform_indices = @transform_14, window_bounds = array<i64: 1024, 1>}]} {
    %get3A = arith.constant 0 : index
    %get3A_0 = arith.constant 0 : index
    %get3A_1 = vector.load %arg1[%get3A, %get3A_0] : memref<1024x512xf32, #tpu.memory_space<vmem>>, vector<1024x512xf32>
    %get3A_2 = arith.constant 0 : index
    %get3A_3 = arith.constant 0 : index
    %get3A_4 = vector.load %arg5[%get3A_2, %get3A_3] : memref<512x256xf32, #tpu.memory_space<vmem>>, vector<512x256xf32>
    %dot_general3A = arith.constant dense<0.000000e+00> : vector<1024x256xf32>
    %dot_general3A_5 = tpu.matmul %get3A_1, %get3A_4, %dot_general3A {dimension_numbers = #tpu.dot_dimension_numbers<[1], [0], [0], [1], [0, 0, 1, 1], [], []>, transpose_lhs_hint = false} : vector<1024x512xf32>, vector<512x256xf32>, vector<1024x256xf32> -> vector<1024x256xf32>
    %get3A_6 = arith.constant 0 : index
    %get3A_7 = arith.constant 0 : index
    %get3A_8 = vector.load %arg6[%get3A_6, %get3A_7] : memref<1x256xf32, #tpu.memory_space<vmem>>, vector<1x256xf32>
    %add3A = vector.broadcast %get3A_8 : vector<1x256xf32> to vector<1024x256xf32>
    %add3A_9 = arith.addf %dot_general3A_5, %add3A : vector<1024x256xf32>
    %max3A = arith.constant 0.000000e+00 : f32
    %max3A_10 = vector.broadcast %max3A : f32 to vector<1024x256xf32>
    %max3A_11 = arith.maximumf %add3A_9, %max3A_10 : vector<1024x256xf32>
    %get3A_12 = arith.constant 0 : index
    %get3A_13 = arith.constant 0 : index
    %get3A_14 = vector.load %arg7[%get3A_12, %get3A_13] : memref<256x64xf32, #tpu.memory_space<vmem>>, vector<256x64xf32>
    %dot_general3A_15 = arith.constant dense<0.000000e+00> : vector<1024x64xf32>
    %dot_general3A_16 = tpu.matmul %max3A_11, %get3A_14, %dot_general3A_15 {dimension_numbers = #tpu.dot_dimension_numbers<[1], [0], [0], [1], [0, 0, 1, 1], [], []>, transpose_lhs_hint = false} : vector<1024x256xf32>, vector<256x64xf32>, vector<1024x64xf32> -> vector<1024x64xf32>
    %get3A_17 = arith.constant 0 : index
    %get3A_18 = arith.constant 0 : index
    %get3A_19 = vector.load %arg8[%get3A_17, %get3A_18] : memref<1x64xf32, #tpu.memory_space<vmem>>, vector<1x64xf32>
    %add3A_20 = vector.broadcast %get3A_19 : vector<1x64xf32> to vector<1024x64xf32>
    %add3A_21 = arith.addf %dot_general3A_16, %add3A_20 : vector<1024x64xf32>
    %get3A_22 = arith.constant 0 : index
    %get3A_23 = arith.constant 0 : index
    %get3A_24 = arith.constant 0 : index
    %get3A_25 = vector.load %arg2[%get3A_22, %get3A_23, %get3A_24] : memref<128x8x128xf32, #tpu.memory_space<vmem>>, vector<128x8x128xf32>
    %reshape3A = vector.shape_cast %get3A_25 : vector<128x8x128xf32> to vector<1024x128xf32>
    %get3A_26 = arith.constant 0 : index
    %get3A_27 = arith.constant 0 : index
    %get3A_28 = arith.constant 0 : index
    %get3A_29 = vector.load %arg3[%get3A_26, %get3A_27, %get3A_28] : memref<128x8x128xf32, #tpu.memory_space<vmem>>, vector<128x8x128xf32>
    %reshape3A_30 = vector.shape_cast %get3A_29 : vector<128x8x128xf32> to vector<1024x128xf32>
    %get3A_31 = arith.constant 0 : index
    %get3A_32 = arith.constant 0 : index
    %get3A_33 = vector.load %arg9[%get3A_31, %get3A_32] : memref<451x256xf32, #tpu.memory_space<vmem>>, vector<128x256xf32>
    %dot_general3A_34 = arith.constant dense<0.000000e+00> : vector<1024x256xf32>
    %dot_general3A_35 = tpu.matmul %reshape3A, %get3A_33, %dot_general3A_34 {dimension_numbers = #tpu.dot_dimension_numbers<[1], [0], [0], [1], [0, 0, 1, 1], [], []>, transpose_lhs_hint = false} : vector<1024x128xf32>, vector<128x256xf32>, vector<1024x256xf32> -> vector<1024x256xf32>
    %slice3A = vector.extract_strided_slice %reshape3A_30 {offsets = [0, 0], sizes = [1024, 64], strides = [1, 1]} : vector<1024x128xf32> to vector<1024x64xf32>
    %get3A_36 = arith.constant 128 : index
    %get3A_37 = arith.constant 0 : index
    %get3A_38 = vector.load %arg9[%get3A_36, %get3A_37] : memref<451x256xf32, #tpu.memory_space<vmem>>, vector<64x256xf32>
    %dot_general3A_39 = arith.constant dense<0.000000e+00> : vector<1024x256xf32>
    %dot_general3A_40 = tpu.matmul %slice3A, %get3A_38, %dot_general3A_39 {dimension_numbers = #tpu.dot_dimension_numbers<[1], [0], [0], [1], [0, 0, 1, 1], [], []>, transpose_lhs_hint = false} : vector<1024x64xf32>, vector<64x256xf32>, vector<1024x256xf32> -> vector<1024x256xf32>
    %add3A_41 = arith.addf %dot_general3A_35, %dot_general3A_40 : vector<1024x256xf32>
    %get3A_42 = arith.constant 0 : index
    %get3A_43 = arith.constant 0 : index
    %get3A_44 = vector.load %arg4[%get3A_42, %get3A_43] : memref<1024x259xf32, #tpu.memory_space<vmem>>, vector<1024x259xf32>
    %get3A_45 = arith.constant 192 : index
    %get3A_46 = arith.constant 0 : index
    %get3A_47 = vector.load %arg9[%get3A_45, %get3A_46] : memref<451x256xf32, #tpu.memory_space<vmem>>, vector<259x256xf32>
    %dot_general3A_48 = arith.constant dense<0.000000e+00> : vector<1024x256xf32>
    %dot_general3A_49 = tpu.matmul %get3A_44, %get3A_47, %dot_general3A_48 {dimension_numbers = #tpu.dot_dimension_numbers<[1], [0], [0], [1], [0, 0, 1, 1], [], []>, transpose_lhs_hint = false} : vector<1024x259xf32>, vector<259x256xf32>, vector<1024x256xf32> -> vector<1024x256xf32>
    %add3A_50 = arith.addf %add3A_41, %dot_general3A_49 : vector<1024x256xf32>
    %get3A_51 = arith.constant 0 : index
    %get3A_52 = arith.constant 0 : index
    %get3A_53 = vector.load %arg10[%get3A_51, %get3A_52] : memref<1x256xf32, #tpu.memory_space<vmem>>, vector<1x256xf32>
    %add3A_54 = vector.broadcast %get3A_53 : vector<1x256xf32> to vector<1024x256xf32>
    %add3A_55 = arith.addf %add3A_50, %add3A_54 : vector<1024x256xf32>
    %max3A_56 = arith.constant 0.000000e+00 : f32
    %max3A_57 = vector.broadcast %max3A_56 : f32 to vector<1024x256xf32>
    %max3A_58 = arith.maximumf %add3A_55, %max3A_57 : vector<1024x256xf32>
    %get3A_59 = arith.constant 0 : index
    %get3A_60 = arith.constant 0 : index
    %get3A_61 = vector.load %arg11[%get3A_59, %get3A_60] : memref<256x128xf32, #tpu.memory_space<vmem>>, vector<256x128xf32>
    %dot_general3A_62 = arith.constant dense<0.000000e+00> : vector<1024x128xf32>
    %dot_general3A_63 = tpu.matmul %max3A_58, %get3A_61, %dot_general3A_62 {dimension_numbers = #tpu.dot_dimension_numbers<[1], [0], [0], [1], [0, 0, 1, 1], [], []>, transpose_lhs_hint = false} : vector<1024x256xf32>, vector<256x128xf32>, vector<1024x128xf32> -> vector<1024x128xf32>
    %get3A_64 = arith.constant 0 : index
    %get3A_65 = arith.constant 0 : index
    %get3A_66 = vector.load %arg12[%get3A_64, %get3A_65] : memref<1x128xf32, #tpu.memory_space<vmem>>, vector<1x128xf32>
    %add3A_67 = vector.broadcast %get3A_66 : vector<1x128xf32> to vector<1024x128xf32>
    %add3A_68 = arith.addf %dot_general3A_63, %add3A_67 : vector<1024x128xf32>
    %max3A_69 = arith.constant 0.000000e+00 : f32
    %max3A_70 = vector.broadcast %max3A_69 : f32 to vector<1024x128xf32>
    %max3A_71 = arith.maximumf %add3A_68, %max3A_70 : vector<1024x128xf32>
    %get3A_72 = arith.constant 0 : index
    %get3A_73 = arith.constant 0 : index
    %get3A_74 = vector.load %arg13[%get3A_72, %get3A_73] : memref<128x64xf32, #tpu.memory_space<vmem>>, vector<128x64xf32>
    %dot_general3A_75 = arith.constant dense<0.000000e+00> : vector<1024x64xf32>
    %dot_general3A_76 = tpu.matmul %max3A_71, %get3A_74, %dot_general3A_75 {dimension_numbers = #tpu.dot_dimension_numbers<[1], [0], [0], [1], [0, 0, 1, 1], [], []>, transpose_lhs_hint = false} : vector<1024x128xf32>, vector<128x64xf32>, vector<1024x64xf32> -> vector<1024x64xf32>
    %get3A_77 = arith.constant 0 : index
    %get3A_78 = arith.constant 0 : index
    %get3A_79 = vector.load %arg14[%get3A_77, %get3A_78] : memref<1x64xf32, #tpu.memory_space<vmem>>, vector<1x64xf32>
    %add3A_80 = vector.broadcast %get3A_79 : vector<1x64xf32> to vector<1024x64xf32>
    %add3A_81 = arith.addf %dot_general3A_76, %add3A_80 : vector<1024x64xf32>
    %mul3A = arith.mulf %add3A_21, %add3A_81 : vector<1024x64xf32>
    %reduce_sum3A = arith.constant dense<0.000000e+00> : vector<1024xf32>
    %reduce_sum3A_82 = vector.multi_reduction <add>, %mul3A, %reduce_sum3A [1] : vector<1024x64xf32> to vector<1024xf32>
    %broadcast_in_dim3A = vector.shape_cast %reduce_sum3A_82 : vector<1024xf32> to vector<1024x1xf32>
    %swap3A = arith.constant 0 : index
    %swap3A_83 = arith.constant 0 : index
    %swap3A_84 = vector.load %arg15[%swap3A, %swap3A_83] : memref<1024x1xf32, #tpu.memory_space<vmem>>, vector<1024x1xf32>
    tpu.vector_store %arg15[%swap3A, %swap3A_83], %broadcast_in_dim3A {strides = array<i32>} : memref<1024x1xf32, #tpu.memory_space<vmem>>, vector<1024x1xf32>,
    return
  }
  func.func @transform_0(%arg0: i32) -> (i32, i32) {
    %c0_i32 = arith.constant 0 : i32
    %c0_i32_0 = arith.constant 0 : i32
    %c0_i32_1 = arith.constant 0 : i32
    return %c0_i32, %c0_i32_0 : i32, i32
  }
  func.func @transform_1(%arg0: i32) -> (i32, i32, i32) {
    %c100_i32 = arith.constant 100 : i32
    %c0_i32 = arith.constant 0 : i32
    %c0_i32_0 = arith.constant 0 : i32
    %c0_i32_1 = arith.constant 0 : i32
    return %c100_i32, %c0_i32, %c0_i32_0 : i32, i32, i32
  }
  func.func @transform_2(%arg0: i32) -> (i32, i32, i32) {
    %c100_i32 = arith.constant 100 : i32
    %c0_i32 = arith.constant 0 : i32
    %c0_i32_0 = arith.constant 0 : i32
    %c0_i32_1 = arith.constant 0 : i32
    return %c100_i32, %c0_i32, %c0_i32_0 : i32, i32, i32
  }
  func.func @transform_3(%arg0: i32) -> (i32, i32) {
    %c0_i32 = arith.constant 0 : i32
    %c0_i32_0 = arith.constant 0 : i32
    %c0_i32_1 = arith.constant 0 : i32
    return %c0_i32, %c0_i32_0 : i32, i32
  }
  func.func @transform_4(%arg0: i32) -> (i32, i32) {
    %c0_i32 = arith.constant 0 : i32
    %c0_i32_0 = arith.constant 0 : i32
    %c0_i32_1 = arith.constant 0 : i32
    return %c0_i32, %c0_i32_0 : i32, i32
  }
  func.func @transform_5(%arg0: i32) -> (i32, i32) {
    %c0_i32 = arith.constant 0 : i32
    %c0_i32_0 = arith.constant 0 : i32
    %c0_i32_1 = arith.constant 0 : i32
    return %c0_i32, %c0_i32_0 : i32, i32
  }
  func.func @transform_6(%arg0: i32) -> (i32, i32) {
    %c0_i32 = arith.constant 0 : i32
    %c0_i32_0 = arith.constant 0 : i32
    %c0_i32_1 = arith.constant 0 : i32
    return %c0_i32, %c0_i32_0 : i32, i32
  }
  func.func @transform_7(%arg0: i32) -> (i32, i32) {
    %c0_i32 = arith.constant 0 : i32
    %c0_i32_0 = arith.constant 0 : i32
    %c0_i32_1 = arith.constant 0 : i32
    return %c0_i32, %c0_i32_0 : i32, i32
  }
  func.func @transform_8(%arg0: i32) -> (i32, i32) {
    %c0_i32 = arith.constant 0 : i32
    %c0_i32_0 = arith.constant 0 : i32
    %c0_i32_1 = arith.constant 0 : i32
    return %c0_i32, %c0_i32_0 : i32, i32
  }
  func.func @transform_9(%arg0: i32) -> (i32, i32) {
    %c0_i32 = arith.constant 0 : i32
    %c0_i32_0 = arith.constant 0 : i32
    %c0_i32_1 = arith.constant 0 : i32
    return %c0_i32, %c0_i32_0 : i32, i32
  }
  func.func @transform_10(%arg0: i32) -> (i32, i32) {
    %c0_i32 = arith.constant 0 : i32
    %c0_i32_0 = arith.constant 0 : i32
    %c0_i32_1 = arith.constant 0 : i32
    return %c0_i32, %c0_i32_0 : i32, i32
  }
  func.func @transform_11(%arg0: i32) -> (i32, i32) {
    %c0_i32 = arith.constant 0 : i32
    %c0_i32_0 = arith.constant 0 : i32
    %c0_i32_1 = arith.constant 0 : i32
    return %c0_i32, %c0_i32_0 : i32, i32
  }
  func.func @transform_12(%arg0: i32) -> (i32, i32) {
    %c0_i32 = arith.constant 0 : i32
    %c0_i32_0 = arith.constant 0 : i32
    %c0_i32_1 = arith.constant 0 : i32
    return %c0_i32, %c0_i32_0 : i32, i32
  }
  func.func @transform_13(%arg0: i32) -> (i32, i32) {
    %c0_i32 = arith.constant 0 : i32
    %c0_i32_0 = arith.constant 0 : i32
    %c0_i32_1 = arith.constant 0 : i32
    return %c0_i32, %c0_i32_0 : i32, i32
  }
  func.func @transform_14(%arg0: i32) -> (i32, i32) {
    %c0_i32 = arith.constant 0 : i32
    %c0_i32_0 = arith.constant 0 : i32
    %c0_i32_1 = arith.constant 0 : i32
    return %c0_i32, %c0_i32_0 : i32, i32
  }
}

</mosaic_0001>

<sc_bundles>
// kernel: kernel.6.cloned.1.call-start
scs
__scs_entry_jumppad:
0x0: {  	(pc) =	sbr.rel $0x88, $3  }
0x1: {  	(tag) =	ssettag $0x0;
	lr =	simm.s32 $0x1  }
0x2: {  	[smem:$0x3F8C] =	sst lr;
	_ =	strace $0xD0000000  }
0x3: {  	_ = 	snop  }
0x4: {  	_ = 	snop  }
0x5: {  	_ = 	snop  }
0x6: {  	_ = 	snop  }
0x7: {  	_ = 	snop  }
__scs_overlays_trampoline_lowered:
0x8: {  	[smem:$0x3F9B] =	sst s0  }
0x9: {  	[smem:$0x3F9C] =	sst s1  }
0xa: {  	[smem:$0x3F9D] =	sst s2  }
0xb: {  	[smem:$0x3F9E] =	sst s3  }
0xc: {  	[smem:$0x3F9F] =	sst s4  }
0xd: {  	[smem:$0x3FA0] =	sst s5  }
0xe: {  	[smem:$0x3FA1] =	sst s6  }
0xf: {  	[smem:$0x3FA2] =	sst s7  }
0x10: {  	[smem:$0x3FA3] =	sst s8  }
0x11: {  	[smem:$0x3FA4] =	sst s9;
	s0 =	simm.s32 @!p0 $0x0  }
0x12: {  	s1 =	sld [smem:$0x3F8A];
	s0 =	simm.s32 @p0 $0x1  }
0x13: {  	[smem:$0x3FA5] =	sst s0;
	s0 =	simm.s32 @!p1 $0x0  }
0x14: {  	s2 =	sld [smem:$0x3F89];
	s0 =	simm.s32 @p1 $0x1  }
0x15: {  	[smem:$0x3FA6] =	sst s0;
	s0 =	simm.s32 @!p2 $0x0  }
0x16: {  	s3 =	sld [smem:$0x3FDB];
	s0 =	simm.s32 @p2 $0x1  }
0x17: {  	s4 =	simm.s32 $0x1BF5;
	[smem:$0x3FA8] =	sst s0  }
0x18: {  	s0 =	sld [smem:$0x3F8B];
	_ =	swait.ge [sflag:s4], $0x0  }
0x19: {  	s7 =	sld [smem:$0x3F8C]  }
0x1a: {  	s8 =	sadd.s32 $0xFFFFE003, lr  }
0x1b: {  	s9 =	sadd.s32 $0xFFFFFEF7, lr;
	s5 =	simm.s32 $0xFFFFFFFF;
	p2 =	slt.u32 s8, $0xFFFFF086  }
0x1c: {  	p1 =	slt.u32 s9, $0xF7A;
	s5 =	simm.s32 @!p2 $0x0  }
0x1d: {  	s5 =	simm.s32 @p1 $0x1;
	p0 =	seq.s32 s7, s2  }
0x1e: {  	s7 =	smul.u32 @!p0 $0xF7A, s2;
	p2 =	seq.s32 @!p0 s5, $0x0  }
0x1f: {  	s9 =	smul.u32 $0xF7A, s1;
	s8 =	simm.s32 @!p0 $0x1BF5;
	p2 =	por !p2, p0  }
0x20: {  	[sflag:s8] =	ssyncset.s32 @!p0 $0xFFFFF086;
	s6 =	sadd.s32 @!p0 s3, s7;
	s7 =	simm.s32 @!p0 $0x108  }
0x21: {  	s3 =	sadd.s32 s3, s9;
	s6 =	sadd.s32 @!p0 $0x88, s6;
	s7 =	simm.s32 @p2 $0x1082  }
0x22: {  	[simem:s7], [sflag:s8] =	dma.local @!p0 [hbm:s6], $0xF7A  }
0x23: {  	s9 =	sor.u32 $0xD0000000, s2;
	s6 =	simm.s32 $0x108;
	_ =	swait.ge @!p0 [sflag:s8], $0x0  }
0x24: {  	s3 =	sadd.s32 $0x88, s3;
	s6 =	simm.s32 @!p1 $0x1082;
	[sflag:s4] =	ssyncset.s32 $0xFFFFF086  }
0x25: {  	[simem:s6], [sflag:s4] =	dma.local [hbm:s3], $0xF7A  }
0x26: {  	[smem:$0x3F8C] =	sst s1;
	(tag) =	ssettag s2;
	_ =	strace s9  }
0x27: {  	s1 =	sld [smem:$0x3F9C]  }
0x28: {  	s2 =	sld [smem:$0x3F9D]  }
0x29: {  	s4 =	sld [smem:$0x3F9F]  }
0x2a: {  	p0 =	seq.s32 s5, $0x0;
	s5 =	sld [smem:$0x3FA0]  }
0x2b: {  	s6 =	sld [smem:$0x3FA1]  }
0x2c: {  	s7 =	sld [smem:$0x3FA2]  }
0x2d: {  	s3 =	simm.s32 $0x108;
	s8 =	sld [smem:$0x3FA3]  }
0x2e: {  	s3 =	simm.s32 @!p0 $0x1082;
	s9 =	sld [smem:$0x3FA4]  }
0x2f: {  	lr =	sadd.s32 s0, s3;
	s0 =	sld [smem:$0x3F9B]  }
0x30: {  	s3 =	sld [smem:$0x3F9E]  }
0x31: {  	[smem:$0x3FA7] =	sst s10  }
0x32: {  	s10 =	sld [smem:$0x3FA5];
	_ =	sdelay $0x3  }
0x33: {  	p0 =	seq.s32 s10, $0x1;
	s10 =	sld [smem:$0x3FA7];
	_ =	sdelay $0x3  }
0x34: {  	[smem:$0x3FA7] =	sst s10  }
0x35: {  	s10 =	sld [smem:$0x3FA6];
	_ =	sdelay $0x3  }
0x36: {  	p1 =	seq.s32 s10, $0x1;
	s10 =	sld [smem:$0x3FA7];
	_ =	sdelay $0x3  }
0x37: {  	[smem:$0x3FA7] =	sst s10  }
0x38: {  	s10 =	sld [smem:$0x3FA8]  }
0x39: {  	_ = 	snop;
	(pc) =	sbr.ind lr, $3  }
0x3a: {  	_ = 	snop  }
0x3b: {  	_ = 	snop  }
0x3c: {  	p2 =	seq.s32 s10, $0x1;
	s10 =	sld [smem:$0x3FA7]  }
0x3d: {  	_ =	shalt  }
0x3e: {  	_ =	shalt  }
0x3f: {  	_ =	shalt  }
0x40: {  	_ =	shalt  }
0x41: {  	_ =	shalt  }
0x42: {  	_ =	shalt  }
0x43: {  	_ =	shalt  }
0x44: {  	_ =	shalt  }
0x45: {  	_ =	shalt  }
0x46: {  	_ =	shalt  }
0x47: {  	_ =	shalt  }
0x48: {  	_ =	shalt  }
0x49: {  	_ =	shalt  }
0x4a: {  	_ =	shalt  }
0x4b: {  	_ =	shalt  }
0x4c: {  	_ =	shalt  }
0x4d: {  	_ =	shalt  }
0x4e: {  	_ =	shalt  }
0x4f: {  	_ =	shalt  }
0x50: {  	_ =	shalt  }
0x51: {  	_ =	shalt  }
0x52: {  	_ =	shalt  }
0x53: {  	_ =	shalt  }
0x54: {  	_ =	shalt  }
0x55: {  	_ =	shalt  }
0x56: {  	_ =	shalt  }
0x57: {  	_ =	shalt  }
0x58: {  	_ =	shalt  }
0x59: {  	_ =	shalt  }
0x5a: {  	_ =	shalt  }
0x5b: {  	_ =	shalt  }
0x5c: {  	_ =	shalt  }
0x5d: {  	_ =	shalt  }
0x5e: {  	_ =	shalt  }
0x5f: {  	_ =	shalt  }
0x60: {  	_ =	shalt  }
0x61: {  	_ =	shalt  }
0x62: {  	_ =	shalt  }
0x63: {  	_ =	shalt  }
0x64: {  	_ =	shalt  }
0x65: {  	_ =	shalt  }
0x66: {  	_ =	shalt  }
0x67: {  	_ =	shalt  }
0x68: {  	_ =	shalt  }
0x69: {  	_ =	shalt  }
0x6a: {  	_ =	shalt  }
0x6b: {  	_ =	shalt  }
0x6c: {  	_ =	shalt  }
0x6d: {  	_ =	shalt  }
0x6e: {  	_ =	shalt  }
0x6f: {  	_ =	shalt  }
0x70: {  	_ =	shalt  }
0x71: {  	_ =	shalt  }
0x72: {  	_ =	shalt  }
0x73: {  	_ =	shalt  }
0x74: {  	_ =	shalt  }
0x75: {  	_ =	shalt  }
0x76: {  	_ =	shalt  }
0x77: {  	_ =	shalt  }
0x78: {  	_ =	shalt  }
0x79: {  	_ =	shalt  }
0x7a: {  	_ =	shalt  }
0x7b: {  	_ =	shalt  }
0x7c: {  	_ =	shalt  }
0x7d: {  	_ =	shalt  }
0x7e: {  	_ =	shalt  }
0x7f: {  	_ =	shalt  }
0x80: {  	_ =	shalt  }
0x81: {  	_ =	shalt  }
0x82: {  	_ =	shalt  }
0x83: {  	_ =	shalt  }
0x84: {  	_ =	shalt  }
0x85: {  	_ =	shalt  }
0x86: {  	_ =	shalt  }
0x87: {  	_ =	shalt  }
.Lfunc_end0:
.L_simem_size_0:
called_computation_lowered:
.L_overlay_start_0:
0x88: {  	s2 =	sld [smem:$0x3FD9]  }
0x89: {  	s3 =	sld [smem:$0x3FFE];
	_ =	sdelay $0x1  }
0x8a: {  	s1 =	srdreg.scid  }
0x8b: {  	s0 =	sand.u32 $0x1, s1  }
0x8c: {  	s16 =	sshll.u32 s0, $0xA;
	s2 =	sadd.s32 s3, s2  }
0x8d: {  	s2 =	sadd.s32 s2, s16  }
0x8e: {  	[smem:$0x3FB3] =	sst s2  }
0x8f: {  	_ = 	snop  }
0x90: {  	(tm) =	ssettm $0x1  }
0x91: {  	s17 =	sld [smem:$0x3FFB];
	_ =	sdelay $0x3  }
0x92: {  	_ =	strace s17  }
0x93: {  	s2 =	sld [smem:$0x3FFC];
	_ =	sdelay $0x3  }
0x94: {  	_ =	strace s2  }
0x95: {  	s2 =	sld [smem:$0x3FFD];
	_ =	sdelay $0x3  }
0x96: {  	_ =	strace s2  }
0x97: {  	_ =	strace $0x8FFFFFFF  }
0x98: {  	s18 =	sld [smem:$0x3FDB];
	_ =	sdelay $0x1  }
0x99: {  	s19 =	simm.s32 $_scs_section_size  }
0x9a: {  	s4 =	simm.s32 $_size__tile_overlayer_lowered;
	s5 =	simm.s32 $_tile_overlayer_lowered  }
0x9b: {  	s22 =	simm.s32 $0x1BFF;
	s21 =	sshll.u32 s5, $0x1;
	s2 =	sadd.s32 s19, s18  }
0x9c: {  	s6 =	simm.s32 $0x0;
	s20 =	sshll.u32 s4, $0x1;
	s4 =	sadd.s32 s21, s2  }
0x9d: {  	[timem:s6], [sflag:s22] =	dma.local [hbm:s4], s20  }
0x9e: {  	_ =	swait.ge [sflag:s22], s20  }
0x9f: {  	s3 =	ssub.s32 $0x0, s20;
	[sflag:s22] =	ssyncset.done $0x0  }
0xa0: {  	[sflag:s22] =	ssyncadd.s32 s3;
	_ =	sdelay $0x1  }
0xa1: {  	s23 =	simm.s32 $0x1B8B  }
0xa2: {  	_ =	swait.ge [sflag:s23], $0x1  }
0xa3: {  	[sflag:s23] =	ssyncset.done $0x0  }
0xa4: {  	s25 =	simm.s32 $0x1B8E;
	s24 =	sld [smem:$0x3FFE];
	[sflag:s23] =	ssyncadd.s32 $0xFFFFFFFF  }
0xa5: {  	s26 =	simm.s32 $execute0_lowered;
	[smem:$0x3FD2] =	sst s25  }
0xa6: {  	s4 =	sshll.u32 s26, $0x1;
	_ =	strace $0x80000046;
	[dreg:$0x1] =	wrdreg $0xFFFFFFFF  }
0xa7: {  	s28 =	simm.s32 $_size_execute0_lowered;
	s2 =	sadd.s32 s2, s4;
	[dreg:$0x0] =	wrdreg $0x0  }
0xa8: {  	s4 =	sshll.u32 s28, $0x1;
	[dreg:$0x2] =	wrdreg s2  }
0xa9: {  	[dreg:$0x3] =	wrdreg s4  }
0xaa: {  	[dreg:$0x4] =	wrdreg $0xC0  }
0xab: {  	_ =	task [dreg:s6], $0x5FFFF  }
0xac: {  	[dreg:$0x1] =	wrdreg $0xFFFFFFFF  }
0xad: {  	[dreg:$0x0] =	wrdreg $0x60  }
0xae: {  	[dreg:$0x2] =	wrdreg s24  }
0xaf: {  	[dreg:$0x3] =	wrdreg $0x9  }
0xb0: {  	_ =	task.clear_ibuf [dreg:s6], $0x4FFFF;
	_ =	strace $0x90000046  }
0xb1: {  	s29 =	simm.s32 $0x9;
	_ =	strace $0x80000048  }
0xb2: {  	_ =	swait.ge [sflag:s29], $0x1  }
0xb3: {  	[sflag:s29] =	ssyncadd.s32 $0xFFFFFFFF  }
0xb4: {  	_ =	strace $0x90000048  }
0xb5: {  	_ =	sfence  }
0xb6: {  	s30 =	sld [smem:$0x0];
	_ =	sdelay $0x2  }
0xb7: {  	s31 =	sshll.u32 s1, $0xD;
	s1 =	sshrl.u32 s1, $0x2  }
0xb8: {  	s3 =	sand.u32 $0x4000, s31;
	s1 =	sadd.s32 s1, s30  }
0xb9: {  	s0 =	sor.u32 s3, s0;
	s1 =	sshll.u32 s1, $0x11  }
0xba: {  	s0 =	sor.u32 s1, s0  }
0xbb: {  	s0 =	sadd.s32 $0x8F2B, s0  }
0xbc: {  	[sflag:s0] =	ssyncadd.remote.s32 $0x1  }
0xbd: {  	_ =	sfence.sel $0xFFFF  }
0xbe: {  	[dreg:$0x0] =	wrdreg $0xFFFFFFFF;
	(pc) =	sbr.abs _section_cstart, $3  }
0xbf: {  	[dreg:$0x1] =	wrdreg $0xFFFFFFFF  }
0xc0: {  	_ =	task.clear_ibuf [dreg:s6], $0x2FFFF;
	_ =	strace $0x9FFFFFFF  }
0xc1: {  	(tm) =	ssettm $0x7FFFFFFF  }
tec
execute0_lowered:
.L_overlay_start_1:
0x0: {  	(tag) =	ssettag $0x1  }
0x1: {  	s6 =	rddreg [dreg:$0x0]  }
0x2: {  	s0 =	rddreg [dreg:$0x1]  }
0x3: {  	s2 =	simm.s32 $0x0;
	s3 =	srdreg.scid;
	s1 =	stileid.u32  }
0x4: {  	s14 =	simm.s32 $0x4100;
	s15 =	simm.s32 $0x8100;
	s16 =	simm.s32 $0x40  }
0x5: {  	s17 =	simm.s32 $0x3;
	s18 =	simm.s32 $0x4;
	s19 =	simm.s32 $0x0  }
0x6: {  	[smem:$0x7FF] =	sst s2;
	s10 =	sadd.s32 $0x4A00, s6;
	s7 =	sand.u32 $0x1, s3  }
0x7: {  	s8 =	smul.u32 $0xD0000, s1;
	s3 =	sadd.s32 $0x312000, s6;
	s4 =	sadd.s32 $0x24EA00, s6  }
0x8: {  	s5 =	sadd.s32 $0x18B400, s6;
	s11 =	sshll.u32 s1, $0x1;
	s12 =	smul.u32 $0x1A00, s1  }
0x9: {  	_ =	strace $0x80000047;
	s9 =	smul.u32 $0x68000, s7;
	s25 =	sor.u32 s7, s11  }
0xa: {  	s26 =	smul.u32 $0xD00, s7;
	s7 =	ssub.s32 $0x2, s7;
	s11 =	simm.s32 $0x5  }
0xb: {  	s28 =	sshrl.u32 s7, $0x1;
	s8 =	sadd.s32 s9, s8;
	s9 =	smul.u32 $0xD00, s25  }
.Ltmp0:
0xc: {  	s29 =	sadd.s32 s26, s12;
	s7 =	ssub.s32 s7, s28;
	(pc) =	sbr.rel .LBB2_1-.Ltmp0, $4  }
0xd: {  	s12 =	simm.s32 $0x80;
	s8 =	sshrl.u32 s8, $0x3;
	s7 =	smax.u32 s7, $0x1  }
0xe: {  	s13 =	sadd.s32 s8, s6;
	s30 =	sshrl.u32 s9, $0x3;
	s8 =	sor.u32 $0x80, s29  }
0xf: {  	s6 =	sadd.s32 s10, s30;
	s31 =	sshrl.u32 s8, $0x3;
	s8 =	sadd.s32 $0x3D5600, s13  }
0x10: {  	s9 =	sadd.s32 $0x575600, s13;
	s13 =	simm.s32 $0x100;
	s10 =	sadd.s32 s31, s10  }
.LBB2_7:
0x11: {  	_ =	swait.ge [sflag:s17], $0x2000  }
0x12: {  	[sflag:s17] =	ssyncset.done $0x0  }
0x13: {  	[sflag:s17] =	ssyncadd.s32 $0xFFFFE000  }
0x14: {  	_ =	swait.ge [sflag:s17], $0x2000  }
0x15: {  	[sflag:s17] =	ssyncset.done $0x0  }
0x16: {  	[sflag:s17] =	ssyncadd.s32 $0xFFFFE000  }
0x17: {  	_ =	swait.ge [sflag:s17], $0x2000  }
0x18: {  	[sflag:s17] =	ssyncset.done $0x0  }
0x19: {  	[sflag:s17] =	ssyncadd.s32 $0xFFFFE000  }
0x1a: {  	_ =	swait.ge [sflag:s18], $0x2000  }
0x1b: {  	[sflag:s18] =	ssyncset.done $0x0  }
0x1c: {  	s19 =	sadd.s32 $0x1, s19;
	[sflag:s18] =	ssyncadd.s32 $0xFFFFE000  }
0x1d: {  	p0 =	sne.s32 s19, s7;
	_ =	swait.ge [sflag:s18], $0x2000  }
.Ltmp1:
0x1e: {  	[sflag:s18] =	ssyncset.done $0x0;
	(pc) =	sbr.rel @!p0 .LBB2_8-.Ltmp1, $4  }
0x1f: {  	[sflag:s18] =	ssyncadd.s32 $0xFFFFE000  }
0x20: {  	_ =	swait.ge [sflag:s18], $0x2000  }
0x21: {  	[sflag:s18] =	ssyncset.done $0x0  }
0x22: {  	[sflag:s18] =	ssyncadd.s32 $0xFFFFE000  }
.LBB2_1:
0x23: {  	[tilespmem:s2], [sflag:$0x5] =	stream.linear.gather [hbm4b:s6+s2], $0x80, $0x38;
	[tilespmem:$0xC100] =	vst v63  }
0x24: {  	_ =	swait.ge [sflag:s11], $0x80  }
0x25: {  	[sflag:s11] =	ssyncset.done $0x0  }
0x26: {  	[sflag:s11] =	ssyncadd.s32 $0xFFFFFF80  }
0x27: {  	[tilespmem:s13], [sflag:$0x1] =	stream.indirect.gather [hbm4b:s3+s12], $0x40, s2, s12, $0xb8;
	[tilespmem:$0xC100] =	vst v63  }
.Ltmp2:
0x28: {  	_ = 	snop;
	(pc) =	sbr.rel .LBB2_2-.Ltmp2, $4  }
0x29: {  	_ = 	snop  }
0x2a: {  	[tilespmem:s14], [sflag:$0x1] =	stream.indirect.gather [hbm4b:s4+s12], $0x40, s2, s12, $0xb8;
	[tilespmem:$0xC100] =	vst v63  }
0x2b: {  	s20 =	simm.s32 $0x1;
	s21 =	smov.u32 s10;
	s22 =	simm.s32 $0x0  }
0x2c: {  	[tilespmem:s15], [sflag:$0x1] =	stream.indirect.gather [hbm4b:s5+s12], $0x40, s2, s12, $0xb8;
	[tilespmem:$0xC100] =	vst v63  }
.LBB2_5:
0x2d: {  	s25 =	sshll.u32 s24, $0x7  }
0x2e: {  	[tilespmem:s25], [sflag:$0x5] =	stream.linear.gather [hbm4b:s21+s2], $0x80, $0x38;
	[tilespmem:$0xC100] =	vst v63  }
0x2f: {  	_ =	swait.ge [sflag:s11], $0x80  }
0x30: {  	s26 =	sshll.u32 s24, $0xD;
	[sflag:s11] =	ssyncset.done $0x0  }
0x31: {  	s30 =	sadd.s32 $0x1, s24;
	s28 =	sor.u32 $0x100, s26;
	[sflag:s11] =	ssyncadd.s32 $0xFFFFFF80  }
0x32: {  	[tilespmem:s28], [sflag:s30] =	stream.indirect.gather [hbm4b:s3+s12], $0x40, s25, s12, $0xb8;
	[tilespmem:$0xC100] =	vst v63  }
0x33: {  	s31 =	sor.u32 $0x4100, s26  }
0x34: {  	[tilespmem:s31], [sflag:s30] =	stream.indirect.gather [hbm4b:s4+s12], $0x40, s25, s12, $0xb8;
	[tilespmem:$0xC100] =	vst v63  }
0x35: {  	s26 =	sor.u32 $0x8100, s26  }
0x36: {  	[tilespmem:s26], [sflag:s30] =	stream.indirect.gather [hbm4b:s5+s12], $0x40, s25, s12, $0xb8;
	[tilespmem:$0xC100] =	vst v63  }
.LBB2_6:
0x37: {  	s23 =	sand.u32 $0x1, s23  }
0x38: {  	s24 =	sadd.s32 $0x1, s23  }
0x39: {  	_ =	swait.ge [sflag:s24], $0x2000  }
0x3a: {  	[sflag:s24] =	ssyncset.done $0x0  }
0x3b: {  	[sflag:s24] =	ssyncadd.s32 $0xFFFFE000  }
0x3c: {  	_ =	swait.ge [sflag:s24], $0x2000  }
0x3d: {  	[sflag:s24] =	ssyncset.done $0x0  }
0x3e: {  	s26 =	sadd.s32 s22, s8;
	[sflag:s24] =	ssyncadd.s32 $0xFFFFE000  }
0x3f: {  	s31 =	sadd.s32 s22, s9;
	s22 =	sadd.s32 $0x800, s22;
	_ =	swait.ge [sflag:s24], $0x2000  }
0x40: {  	s25 =	sshll.u32 s23, $0xD;
	s23 =	sadd.s32 $0x3, s23;
	[sflag:s24] =	ssyncset.done $0x0  }
0x41: {  	p0 =	sne.s32 s22, $0xD000;
	s28 =	sor.u32 $0x100, s25;
	[sflag:s24] =	ssyncadd.s32 $0xFFFFE000  }
0x42: {  	[hbm4b:s26+s16] =	stream.strided.scatter [tilespmem:s28], [sflag:s23], $0x2000, s12, s16, $0x38;
	[tilespmem:$0xC100] =	vst v63  }
.Ltmp3:
0x43: {  	_ = 	snop;
	(pc) =	sbr.rel @!p0 .LBB2_7-.Ltmp3, $4  }
0x44: {  	s29 =	sor.u32 $0x4100, s25;
	s26 =	sadd.s32 $0x8, s26  }
0x45: {  	[hbm4b:s26+s16] =	stream.strided.scatter [tilespmem:s29], [sflag:s23], $0x2000, s12, s16, $0x38;
	[tilespmem:$0xC100] =	vst v63  }
0x46: {  	s21 =	sadd.s32 $0x10, s21;
	s20 =	sadd.s32 $0x1, s20;
	s30 =	sor.u32 $0x8100, s25  }
0x47: {  	[hbm4b:s31+s16] =	stream.strided.scatter [tilespmem:s30], [sflag:s23], $0x2000, s12, s16, $0x38;
	[tilespmem:$0xC100] =	vst v63  }
.LBB2_2:
0x48: {  	s23 =	sadd.s32 $0xFFFFFFFF, s20  }
0x49: {  	p0 =	seq.s32 s23, $0x0  }
.Ltmp4:
0x4a: {  	_ = 	snop;
	(pc) =	sbr.rel @p0 .LBB2_5-.Ltmp4, $2  }
0x4b: {  	_ =	sdelay $0x2  }
0x4c: {  	s24 =	sand.u32 $0x1, s20  }
0x4d: {  	p0 =	seq.s32 s23, $0x19  }
.Ltmp5:
0x4e: {  	_ = 	snop;
	(pc) =	sbr.rel @p0 .LBB2_6-.Ltmp5, $1  }
0x4f: {  	_ =	sdelay $0x3  }
0x50: {  	s25 =	sadd.s32 $0x3, s24  }
0x51: {  	_ =	swait.ge [sflag:s25], $0x2000  }
0x52: {  	[sflag:s25] =	ssyncset.done $0x0  }
0x53: {  	[sflag:s25] =	ssyncadd.s32 $0xFFFFE000  }
0x54: {  	_ =	swait.ge [sflag:s25], $0x2000  }
.Ltmp6:
0x55: {  	[sflag:s25] =	ssyncset.done $0x0;
	(pc) =	sbr.rel .LBB2_5-.Ltmp6, $4  }
0x56: {  	[sflag:s25] =	ssyncadd.s32 $0xFFFFE000  }
0x57: {  	_ =	swait.ge [sflag:s25], $0x2000  }
0x58: {  	[sflag:s25] =	ssyncset.done $0x0  }
0x59: {  	[sflag:s25] =	ssyncadd.s32 $0xFFFFE000  }
.LBB2_8:
0x5a: {  	_ =	sfence.sel $0x180000  }
0x5b: {  	[bflag:$0x0] =	sbarrier.arrive $0xFFFF  }
0x5c: {  	p0 =	sne.s32 s1, $0x0;
	_ =	strace $0x90000047  }
0x5d: {  	s0 =	sadd.s32 @!p0 $0x100000, s0;
	[bflag:$0x2] =	sbarrier.arrive $0xFFFF  }
0x5e: {  	[sflag:s0] =	ssyncadd.tile.s32 @!p0 $0x1;
	_ =	shalt  }
.Lfunc_end2:
_tile_overlayer_lowered:
.L_overlay_start_2:
0x5f: {  	(tag) =	ssettag $0x2  }
0x60: {  	s0 =	rddreg [dreg:$0x0];
	s2 =	stileid.u32  }
0x61: {  	s1 =	rddreg [dreg:$0x1];
	p0 =	sne.s32 s2, $0x0  }
0x62: {  	s3 =	rddreg [dreg:$0x2];
	[bflag:$0x3] =	sbarrier.arrive $0xFFFF;
	s2 =	simm.s32 @!p0 $0x1C05  }
0x63: {  	[timem:s3], [sflag:s2] =	dma.local @!p0 [hbm:s0], s1  }
0x64: {  	s0 =	simm.s32 @!p0 $0x5  }
0x65: {  	_ =	swait.ge @!p0 [sflag:s0], s1  }
0x66: {  	s1 =	ssub.s32 @!p0 $0x0, s1;
	[sflag:s0] =	ssyncset.done @!p0 $0x0  }
0x67: {  	[sflag:s0] =	ssyncadd.s32 @!p0 s1  }
0x68: {  	[bflag:$0x3] =	sbarrier.arrive $0xFFFF  }
0x69: {  	_ =	shalt  }

</sc_bundles>
